<compile_context>
chip_gen: v7x
topology: tpu7x:2x2x1
jax: 0.10.2.dev20260603
libtpu: 0.0.44.dev20260713+nightly
codegen_flags: <defaults>
</compile_context>

<pallas_src>
import functools

import jax
import jax.numpy as jnp
from jax import lax
from jax.experimental import pallas as pl
from jax.experimental.pallas import tpu as pltpu
from jax.experimental.pallas import tpu_sc as plsc

N = 10000
E = 320000
D = 128

NC = 2
NS = 16
NW = NC * NS
CHUNK = 128
NBUF = 3
NITER = 27
NCHUNK = NBUF * NITER
EPW = CHUNK * NCHUNK
E_PAD = EPW * NW
GROWS = N + CHUNK
ACC_ROWS = N
RPT = 632
RPT_TAIL = ACC_ROWS - 15 * RPT
DEG_ROWS = 10240
DROW = DEG_ROWS // D


def _leaky(h):
    return jnp.where(h >= 0, h, 0.01 * h)


def _mesh():
    return plsc.VectorSubcoreMesh(
        core_axis_name="c", subcore_axis_name="s",
        num_cores=NC, num_subcores=NS,
    )



_DEG_RPT = DEG_ROWS // NS


DEG_W = D


def _deg_body(dst_hbm, ones_hbm, zero_hbm, out_hbm, idx_v, ones_v, acc_sh, sem):
    c = lax.axis_index("c")
    s = lax.axis_index("s")
    wid = c * NS + s
    pltpu.sync_copy(zero_hbm.at[pl.ds(0, _DEG_RPT)],
                    acc_sh.at[pl.ds(s * _DEG_RPT, _DEG_RPT)])
    pltpu.sync_copy(ones_hbm, ones_v)
    pltpu.sync_copy(dst_hbm.at[wid], idx_v)
    plsc.subcore_barrier()

    def body(t, _):
        pltpu.async_copy(ones_v, acc_sh.at[idx_v.at[t]], sem, add=True)
        return 0

    lax.fori_loop(0, NCHUNK, body, 0)

    def drain(t, _):
        pltpu.make_async_copy(ones_v, acc_sh.at[idx_v.at[0]], sem).wait()
        return 0

    lax.fori_loop(0, NCHUNK, drain, 0)
    plsc.subcore_barrier()
    pltpu.sync_copy(
        acc_sh.at[pl.ds(s * _DEG_RPT, _DEG_RPT)],
        out_hbm.at[c, pl.ds(s * _DEG_RPT, _DEG_RPT)],
    )


@functools.cache
def _deg_kernel():
    return pl.kernel(
        _deg_body,
        out_type=jax.ShapeDtypeStruct((NC, DEG_ROWS, DEG_W), jnp.float32),
        mesh=_mesh(),
        scratch_types=[
            pltpu.VMEM((NCHUNK, CHUNK), jnp.int32),
            pltpu.VMEM((CHUNK, DEG_W), jnp.float32),
            pltpu.VMEM_SHARED((DEG_ROWS, DEG_W), jnp.float32),
            pltpu.SemaphoreType.DMA,
        ],
    )


def _agg_body(g_hbm, src_hbm, dst_hbm, zrows_hbm, out_hbm,
              si_v, di_v, rows0, rows1, rows2, acc_sh,
              sg0, sg1, sg2, ss0, ss1, ss2, s_ei, s_di):
    c = lax.axis_index("c")
    s = lax.axis_index("s")
    wid = c * NS + s
    rows = (rows0, rows1, rows2)
    sg = (sg0, sg1, sg2)
    ss = (ss0, ss1, ss2)

    @pl.when(s < NS - 1)
    def _zero():
        pltpu.sync_copy(zrows_hbm.at[pl.ds(0, RPT)],
                        acc_sh.at[pl.ds(s * RPT, RPT)])

    @pl.when(s == NS - 1)
    def _zero_tail():
        pltpu.sync_copy(zrows_hbm.at[pl.ds(0, RPT_TAIL)],
                        acc_sh.at[pl.ds(15 * RPT, RPT_TAIL)])

    plsc.subcore_barrier()

    pltpu.sync_copy(src_hbm.at[0, wid], si_v.at[0])
    pltpu.sync_copy(dst_hbm.at[0, wid], di_v)
    pltpu.async_copy(src_hbm.at[1, wid], si_v.at[1], s_ei)
    for b in range(NBUF):
        pltpu.async_copy(g_hbm.at[si_v.at[0, b]], rows[b], sg[b])

    def body(i, _):
        p = lax.rem(i, 2)
        p2 = lax.rem(i + 1, 2)

        @pl.when(i > 0)
        def _wait_dst():
            pltpu.make_async_copy(dst_hbm.at[0, wid], di_v, s_di).wait()

        for b in range(NBUF):
            pltpu.make_async_copy(g_hbm.at[si_v.at[p, b]], rows[b],
                                  sg[b]).wait()
            pltpu.async_copy(rows[b], acc_sh.at[di_v.at[b]], ss[b],
                             add=True)

        @pl.when(i + 1 < NITER)
        def _next():
            pltpu.make_async_copy(src_hbm.at[0, wid], si_v.at[0], s_ei).wait()
            for b in range(NBUF):
                pltpu.make_async_copy(rows[b], acc_sh.at[di_v.at[b]],
                                      ss[b]).wait()
                pltpu.async_copy(g_hbm.at[si_v.at[p2, b]], rows[b], sg[b])
            pltpu.async_copy(dst_hbm.at[i + 1, wid], di_v, s_di)

            @pl.when(i + 2 < NITER)
            def _fetch():
                pltpu.async_copy(src_hbm.at[i + 2, wid], si_v.at[p], s_ei)

        return 0

    lax.fori_loop(0, NITER, body, 0)
    for b in range(NBUF):
        pltpu.make_async_copy(rows[b], acc_sh.at[di_v.at[b]], ss[b]).wait()
    plsc.subcore_barrier()

    @pl.when(s < NS - 1)
    def _out():
        pltpu.sync_copy(acc_sh.at[pl.ds(s * RPT, RPT)],
                        out_hbm.at[c, pl.ds(s * RPT, RPT)])

    @pl.when(s == NS - 1)
    def _out_tail():
        pltpu.sync_copy(acc_sh.at[pl.ds(15 * RPT, RPT_TAIL)],
                        out_hbm.at[c, pl.ds(15 * RPT, RPT_TAIL)])


@functools.cache
def _agg_kernel():
    return pl.kernel(
        _agg_body,
        out_type=jax.ShapeDtypeStruct((NC, ACC_ROWS, D), jnp.float32),
        mesh=_mesh(),
        scratch_types=[
            pltpu.VMEM((2, NBUF, CHUNK), jnp.int32),
            pltpu.VMEM((NBUF, CHUNK), jnp.int32),
            pltpu.VMEM((CHUNK, D), jnp.float32),
            pltpu.VMEM((CHUNK, D), jnp.float32),
            pltpu.VMEM((CHUNK, D), jnp.float32),
            pltpu.VMEM_SHARED((ACC_ROWS, D), jnp.float32),
            pltpu.SemaphoreType.DMA,
            pltpu.SemaphoreType.DMA,
            pltpu.SemaphoreType.DMA,
            pltpu.SemaphoreType.DMA,
            pltpu.SemaphoreType.DMA,
            pltpu.SemaphoreType.DMA,
            pltpu.SemaphoreType.DMA,
            pltpu.SemaphoreType.DMA,
        ],
    )



def _tc2_body(d0_ref, d1_ref, x_ref, w1_ref, b1_ref, w2_ref, b2_ref, wc_ref,
              g_ref, dinv_ref):
    h = _leaky(jnp.dot(x_ref[...], w1_ref[...],
                       preferred_element_type=jnp.float32) + b1_ref[...])
    h = _leaky(jnp.dot(h, w2_ref[...],
                       preferred_element_type=jnp.float32) + b2_ref[...])
    deg = d0_ref[...] + d1_ref[...] + 1.0
    dinv = lax.rsqrt(deg)
    dinv_ref[...] = dinv
    g_ref[:N, :] = dinv * jnp.dot(h, wc_ref[...],
                                  preferred_element_type=jnp.float32)
    g_ref[N:, :] = jnp.zeros((GROWS - N, D), jnp.float32)


def _tc3_body(s_ref, g_ref, dinv_ref, bc_ref, wc_ref, emb_ref, g2_ref):
    ssum = s_ref[0] + s_ref[1] + g_ref[:N, :]
    dinv = dinv_ref[...]
    emb = _leaky(dinv * ssum + bc_ref[...])
    emb_ref[...] = emb
    g2_ref[:N, :] = dinv * jnp.dot(emb, wc_ref[...],
                                   preferred_element_type=jnp.float32)
    g2_ref[N:, :] = jnp.zeros((GROWS - N, D), jnp.float32)


def _tc4_body(s_ref, g_ref, dinv_ref, bc_ref, wp_ref, bp_ref, emb_ref, o_ref):
    ssum = s_ref[0] + s_ref[1] + g_ref[:N, :]
    emb = _leaky(dinv_ref[...] * ssum + bc_ref[...])
    emb_ref[...] = emb
    o_ref[...] = jnp.dot(emb, wp_ref[...],
                         preferred_element_type=jnp.float32) + bp_ref[...]


_f32 = jnp.float32


def _tc2(d0, d1, x, W1, b1, W2, b2, Wc):
    return pl.pallas_call(
        _tc2_body,
        out_shape=(jax.ShapeDtypeStruct((GROWS, D), _f32),
                   jax.ShapeDtypeStruct((N, 1), _f32)),
    )(d0, d1, x, W1, b1, W2, b2, Wc)


def _tc3(S, g, dinv, bc, Wc):
    return pl.pallas_call(
        _tc3_body,
        out_shape=(jax.ShapeDtypeStruct((N, D), _f32),
                   jax.ShapeDtypeStruct((GROWS, D), _f32)),
    )(S, g, dinv, bc, Wc)


def _tc4(S, g, dinv, bc, Wp, bp):
    return pl.pallas_call(
        _tc4_body,
        out_shape=(jax.ShapeDtypeStruct((N, D), _f32),
                   jax.ShapeDtypeStruct((N, 1), _f32)),
    )(S, g, dinv, bc, Wp, bp)



@jax.jit
def kernel(x, edge_index, W1, b1, W2, b2, Wc1, bc1, Wc2, bc2, Wp, bp):
    pad = E_PAD - E
    pad_idx = jnp.arange(pad, dtype=jnp.int32)
    src = jnp.concatenate([edge_index[0], N + pad_idx % CHUNK])
    dst = jnp.concatenate([edge_index[1], pad_idx % N])
    src = src.reshape(NW, NITER, NBUF, CHUNK).transpose(1, 0, 2, 3)
    dst = dst.reshape(NW, NITER, NBUF, CHUNK).transpose(1, 0, 2, 3)
    dst_deg = jnp.concatenate([edge_index[1], N + pad_idx % (DEG_ROWS - N)])
    dst_deg = dst_deg.reshape(NW, NCHUNK, CHUNK)
    zrows = jnp.zeros((RPT, D), _f32)
    zdeg = jnp.zeros((_DEG_RPT, DEG_W), _f32)
    ones_deg = jnp.ones((CHUNK, DEG_W), _f32)

    degp = _deg_kernel()(dst_deg, ones_deg, zdeg)
    d0 = degp[0, :N, 0:1]
    d1 = degp[1, :N, 0:1]
    g1, dinv = _tc2(d0, d1, x, W1, b1.reshape(1, D), W2, b2.reshape(1, D), Wc1)
    S1 = _agg_kernel()(g1, src, dst, zrows)
    emb1, g2 = _tc3(S1, g1, dinv, bc1.reshape(1, D), Wc2)
    S2 = _agg_kernel()(g2, src, dst, zrows)
    emb2, o = _tc4(S2, g2, dinv, bc2.reshape(1, D), Wp, bp.reshape(1, 1))
    return (o.reshape(N), emb1, emb2)

# --- scband reference (transcript-rebuilt; emitter-appended) ---
"""Pipeline reference for scband-roland-gnn-1614907703850 (READ-ONLY COPY).

The authoritative reference and input builder live on the scoring server;
editing this copy changes nothing except your own understanding.
"""

import jax, jax.numpy as jnp
import numpy as np

N = 10000
E = 320000
D = 128
H = 128


def setup_inputs(seed: int = 0) -> dict:
    key = jax.random.key(seed)
    ks = jax.random.split(key, 12)
    x = jax.random.normal(ks[0], (N, D), dtype=jnp.float32)
    edge_index = jax.random.randint(ks[1], (2, E), 0, N, dtype=jnp.int32)
    s = 0.05
    W1 = jax.random.normal(ks[2], (D, 128), dtype=jnp.float32) * s
    b1 = jnp.zeros((128,), dtype=jnp.float32)
    W2 = jax.random.normal(ks[3], (128, H), dtype=jnp.float32) * s
    b2 = jnp.zeros((H,), dtype=jnp.float32)
    Wc1 = jax.random.normal(ks[4], (H, H), dtype=jnp.float32) * s
    bc1 = jnp.zeros((H,), dtype=jnp.float32)
    Wc2 = jax.random.normal(ks[5], (H, H), dtype=jnp.float32) * s
    bc2 = jnp.zeros((H,), dtype=jnp.float32)
    Wp = jax.random.normal(ks[6], (H, 1), dtype=jnp.float32) * s
    bp = jnp.zeros((1,), dtype=jnp.float32)
    return {"x": x, "edge_index": edge_index, "W1": W1, "b1": b1, "W2": W2, "b2": b2,
            "Wc1": Wc1, "bc1": bc1, "Wc2": Wc2, "bc2": bc2, "Wp": Wp, "bp": bp}


def _leaky(h):
    return jnp.where(h >= 0, h, 0.01 * h)


def _gcn_conv(h, edge_index, W, b):
    # GCNConv with add_self_loops=True and symmetric normalization
    loop = jnp.arange(N, dtype=edge_index.dtype)
    src = jnp.concatenate([edge_index[0], loop])
    dst = jnp.concatenate([edge_index[1], loop])
    ones = jnp.ones(src.shape[0], dtype=h.dtype)
    deg = jax.ops.segment_sum(ones, dst, num_segments=N)
    deg_inv_sqrt = jnp.where(deg > 0, deg ** -0.5, 0.0)
    norm = deg_inv_sqrt[src] * deg_inv_sqrt[dst]
    hw = h @ W
    msgs = hw[src] * norm[:, None]
    out = jax.ops.segment_sum(msgs, dst, num_segments=N)
    return out + b


def reference(x, edge_index, W1, b1, W2, b2, Wc1, bc1, Wc2, bc2, Wp, bp):
    # preprocess
    h = _leaky(x @ W1 + b1)
    # dropout p=0.0 -> identity
    h = _leaky(h @ W2 + b2)
    embs = []
    for (W, b) in ((Wc1, bc1), (Wc2, bc2)):
        h = _gcn_conv(h, edge_index, W, b)
        h = _leaky(h)
        # update == 'moving' with tau = 0: h = 0 * prev + 1 * h = h
        h = 0.0 * jnp.zeros((1, 1), dtype=h.dtype) + 1.0 * h
        embs.append(h)
    out = (h @ Wp + bp).reshape(-1)
    return (out, embs[0], embs[1])

if __name__ == "__main__":
    import jax
    _d = setup_inputs()
    print(jax.jit(kernel)(*tuple(_d.values())))

</pallas_src>

<mosaic_0001>
#map = affine_map<(d0, d1) -> (0, 0)>
#map1 = affine_map<(d0, d1) -> (0, 0, 0, 0)>
#map2 = affine_map<(d0, d1) -> (0, 0, 0)>
module attributes {stable_mosaic.version = 14 : i64} {
  func.func @_agg_body(%arg0: i32, %arg1: i32, %arg2: memref<10128x128xf32, #tpu.memory_space<hbm>>, %arg3: memref<27x32x3x128xi32, #tpu.memory_space<hbm>>, %arg4: memref<27x32x3x128xi32, #tpu.memory_space<hbm>>, %arg5: memref<632x128xf32, #tpu.memory_space<hbm>>, %arg6: memref<2x10000x128xf32, #tpu.memory_space<hbm>>, %arg7: memref<2x3x128xi32, #tpu.memory_space<vmem>>, %arg8: memref<3x128xi32, #tpu.memory_space<vmem>>, %arg9: memref<128x128xf32, #tpu.memory_space<vmem>>, %arg10: memref<128x128xf32, #tpu.memory_space<vmem>>, %arg11: memref<128x128xf32, #tpu.memory_space<vmem>>, %arg12: memref<10000x128xf32, #tpu.memory_space<vmem_shared>>, %arg13: memref<!tpu.dma_semaphore, #tpu.memory_space<semaphore_mem>>, %arg14: memref<!tpu.dma_semaphore, #tpu.memory_space<semaphore_mem>>, %arg15: memref<!tpu.dma_semaphore, #tpu.memory_space<semaphore_mem>>, %arg16: memref<!tpu.dma_semaphore, #tpu.memory_space<semaphore_mem>>, %arg17: memref<!tpu.dma_semaphore, #tpu.memory_space<semaphore_mem>>, %arg18: memref<!tpu.dma_semaphore, #tpu.memory_space<semaphore_mem>>, %arg19: memref<!tpu.dma_semaphore, #tpu.memory_space<semaphore_mem>>, %arg20: memref<!tpu.dma_semaphore, #tpu.memory_space<semaphore_mem>>) attributes {dimension_semantics = [#tpu.dimension_semantics<core_parallel>, #tpu.dimension_semantics<subcore_parallel>], iteration_bounds = array<i64: 2, 16>, scalar_prefetch = 0 : i64, scratch_operands = 14 : i64, tpu.core_type = #tpu.core_type<sc_vector_subcore>, window_params = [{transform_indices = #map}, {transform_indices = #map1}, {transform_indices = #map1}, {transform_indices = #map}, {transform_indices = #map2}]} {
    %mul3A = arith.constant 16 : i32
    %mul3A_0 = arith.muli %arg0, %mul3A : i32
    %add3A = arith.addi %mul3A_0, %arg1 : i32
    %lt3A = arith.constant 15 : i32
    %lt3A_1 = arith.cmpi slt, %arg1, %lt3A : i32
    %convert_element_type3A = arith.extui %lt3A_1 : i1 to i32
    %cond3A = arith.constant 0 : i32
    %cond3A_2 = arith.cmpi ne, %convert_element_type3A, %cond3A : i32
    scf.if %cond3A_2 {
      %mul3A_87 = arith.constant 632 : i32
      %mul3A_88 = arith.muli %arg1, %mul3A_87 : i32
      "tpu.region"() ({
        %run_scoped3A_89 = tpu.sem_alloc : memref<!tpu.dma_semaphore, #tpu.memory_space<semaphore_mem>>
        %dma_start3A_90 = arith.constant 0 : i32
        %dma_start3A_91 = tpu.memref_slice %arg12[%mul3A_88, %dma_start3A_90] : memref<10000x128xf32, #tpu.memory_space<vmem_shared>> -> memref<632x128xf32, #tpu.memory_space<vmem_shared>>
        %dma_start3A_92 = arith.constant 0 : i32
        %dma_start3A_93 = arith.constant 0 : i32
        %dma_start3A_94 = tpu.memref_slice %arg5[%dma_start3A_92, %dma_start3A_93] : memref<632x128xf32, #tpu.memory_space<hbm>> -> memref<632x128xf32, #tpu.memory_space<hbm>>
        tpu.enqueue_dma source(%dma_start3A_94 : memref<632x128xf32, #tpu.memory_space<hbm>>) target(%dma_start3A_91 : memref<632x128xf32, #tpu.memory_space<vmem_shared>>) target_semaphore(%run_scoped3A_89 : memref<!tpu.dma_semaphore, #tpu.memory_space<semaphore_mem>>)
        %dma_wait3A_95 = arith.constant 0 : i32
        %dma_wait3A_96 = tpu.memref_slice %arg12[%mul3A_88, %dma_wait3A_95] : memref<10000x128xf32, #tpu.memory_space<vmem_shared>> -> memref<632x128xf32, #tpu.memory_space<vmem_shared>>
        %dma_wait3A_97 = arith.constant 0 : i32
        %dma_wait3A_98 = arith.constant 0 : i32
        %dma_wait3A_99 = tpu.memref_slice %arg5[%dma_wait3A_97, %dma_wait3A_98] : memref<632x128xf32, #tpu.memory_space<hbm>> -> memref<632x128xf32, #tpu.memory_space<hbm>>
        tpu.wait_dma2 semaphore(%run_scoped3A_89 : memref<!tpu.dma_semaphore, #tpu.memory_space<semaphore_mem>>) src(%dma_wait3A_99 : memref<632x128xf32, #tpu.memory_space<hbm>>) dst(%dma_wait3A_96 : memref<632x128xf32, #tpu.memory_space<vmem_shared>>)
        tpu.yield
      }) : () -> ()
    } else {
    }
    %eq3A = arith.constant 15 : i32
    %eq3A_3 = arith.cmpi eq, %arg1, %eq3A : i32
    %convert_element_type3A_4 = arith.extui %eq3A_3 : i1 to i32
    %cond3A_5 = arith.constant 0 : i32
    %cond3A_6 = arith.cmpi ne, %convert_element_type3A_4, %cond3A_5 : i32
    scf.if %cond3A_6 {
      "tpu.region"() ({
        %run_scoped3A_87 = tpu.sem_alloc : memref<!tpu.dma_semaphore, #tpu.memory_space<semaphore_mem>>
        %dma_start3A_88 = arith.constant 9480 : i32
        %dma_start3A_89 = arith.constant 0 : i32
        %dma_start3A_90 = tpu.memref_slice %arg12[%dma_start3A_88, %dma_start3A_89] : memref<10000x128xf32, #tpu.memory_space<vmem_shared>> -> memref<520x128xf32, #tpu.memory_space<vmem_shared>>
        %dma_start3A_91 = arith.constant 0 : i32
        %dma_start3A_92 = arith.constant 0 : i32
        %dma_start3A_93 = tpu.memref_slice %arg5[%dma_start3A_91, %dma_start3A_92] : memref<632x128xf32, #tpu.memory_space<hbm>> -> memref<520x128xf32, #tpu.memory_space<hbm>>
        tpu.enqueue_dma source(%dma_start3A_93 : memref<520x128xf32, #tpu.memory_space<hbm>>) target(%dma_start3A_90 : memref<520x128xf32, #tpu.memory_space<vmem_shared>>) target_semaphore(%run_scoped3A_87 : memref<!tpu.dma_semaphore, #tpu.memory_space<semaphore_mem>>)
        %dma_wait3A_94 = arith.constant 9480 : i32
        %dma_wait3A_95 = arith.constant 0 : i32
        %dma_wait3A_96 = tpu.memref_slice %arg12[%dma_wait3A_94, %dma_wait3A_95] : memref<10000x128xf32, #tpu.memory_space<vmem_shared>> -> memref<520x128xf32, #tpu.memory_space<vmem_shared>>
        %dma_wait3A_97 = arith.constant 0 : i32
        %dma_wait3A_98 = arith.constant 0 : i32
        %dma_wait3A_99 = tpu.memref_slice %arg5[%dma_wait3A_97, %dma_wait3A_98] : memref<632x128xf32, #tpu.memory_space<hbm>> -> memref<520x128xf32, #tpu.memory_space<hbm>>
        tpu.wait_dma2 semaphore(%run_scoped3A_87 : memref<!tpu.dma_semaphore, #tpu.memory_space<semaphore_mem>>) src(%dma_wait3A_99 : memref<520x128xf32, #tpu.memory_space<hbm>>) dst(%dma_wait3A_96 : memref<520x128xf32, #tpu.memory_space<vmem_shared>>)
        tpu.yield
      }) : () -> ()
    } else {
    }
    %barrier3A = arith.constant 0 : index
    tpu.barrier barrier_id(%barrier3A)
    %run_scoped3A = arith.constant 0 : i32
    %run_scoped3A_7 = arith.constant 0 : i32
    "tpu.region"() ({
      %run_scoped3A_87 = tpu.sem_alloc : memref<!tpu.dma_semaphore, #tpu.memory_space<semaphore_mem>>
      %dma_start3A_88 = arith.constant 0 : i32
      %dma_start3A_89 = arith.constant 0 : i32
      %dma_start3A_90 = tpu.memref_slice %arg7[%run_scoped3A_7, %dma_start3A_88, %dma_start3A_89] : memref<2x3x128xi32, #tpu.memory_space<vmem>> -> memref<1x3x128xi32, #tpu.memory_space<vmem>>
      %dma_start3A_91 = tpu.memref_squeeze %dma_start3A_90 : memref<1x3x128xi32, #tpu.memory_space<vmem>> -> memref<3x128xi32, #tpu.memory_space<vmem>>
      %dma_start3A_92 = arith.constant 0 : i32
      %dma_start3A_93 = arith.constant 0 : i32
      %dma_start3A_94 = tpu.memref_slice %arg3[%run_scoped3A, %add3A, %dma_start3A_92, %dma_start3A_93] : memref<27x32x3x128xi32, #tpu.memory_space<hbm>> -> memref<1x1x3x128xi32, #tpu.memory_space<hbm>>
      %dma_start3A_95 = tpu.memref_squeeze %dma_start3A_94 : memref<1x1x3x128xi32, #tpu.memory_space<hbm>> -> memref<3x128xi32, #tpu.memory_space<hbm>>
      %dma_start3A_96 = arith.constant 0 : i32
      %dma_start3A_97 = arith.constant 0 : i32
      %dma_start3A_98 = tpu.memref_slice %arg7[%run_scoped3A_7, %dma_start3A_96, %dma_start3A_97] : memref<2x3x128xi32, #tpu.memory_space<vmem>> -> memref<1x3x128xi32, #tpu.memory_space<vmem>>
      %dma_start3A_99 = tpu.memref_squeeze %dma_start3A_98 : memref<1x3x128xi32, #tpu.memory_space<vmem>> -> memref<3x128xi32, #tpu.memory_space<vmem>>
      %dma_start3A_100 = arith.constant 0 : i32
      %dma_start3A_101 = arith.constant 0 : i32
      %dma_start3A_102 = tpu.memref_slice %arg3[%run_scoped3A, %add3A, %dma_start3A_100, %dma_start3A_101] : memref<27x32x3x128xi32, #tpu.memory_space<hbm>> -> memref<1x1x3x128xi32, #tpu.memory_space<hbm>>
      %dma_start3A_103 = tpu.memref_squeeze %dma_start3A_102 : memref<1x1x3x128xi32, #tpu.memory_space<hbm>> -> memref<3x128xi32, #tpu.memory_space<hbm>>
      tpu.enqueue_dma source(%dma_start3A_103 : memref<3x128xi32, #tpu.memory_space<hbm>>) target(%dma_start3A_99 : memref<3x128xi32, #tpu.memory_space<vmem>>) target_semaphore(%run_scoped3A_87 : memref<!tpu.dma_semaphore, #tpu.memory_space<semaphore_mem>>)
      %dma_wait3A_104 = arith.constant 0 : i32
      %dma_wait3A_105 = arith.constant 0 : i32
      %dma_wait3A_106 = tpu.memref_slice %arg7[%run_scoped3A_7, %dma_wait3A_104, %dma_wait3A_105] : memref<2x3x128xi32, #tpu.memory_space<vmem>> -> memref<1x3x128xi32, #tpu.memory_space<vmem>>
      %dma_wait3A_107 = tpu.memref_squeeze %dma_wait3A_106 : memref<1x3x128xi32, #tpu.memory_space<vmem>> -> memref<3x128xi32, #tpu.memory_space<vmem>>
      %dma_wait3A_108 = arith.constant 0 : i32
      %dma_wait3A_109 = arith.constant 0 : i32
      %dma_wait3A_110 = tpu.memref_slice %arg3[%run_scoped3A, %add3A, %dma_wait3A_108, %dma_wait3A_109] : memref<27x32x3x128xi32, #tpu.memory_space<hbm>> -> memref<1x1x3x128xi32, #tpu.memory_space<hbm>>
      %dma_wait3A_111 = tpu.memref_squeeze %dma_wait3A_110 : memref<1x1x3x128xi32, #tpu.memory_space<hbm>> -> memref<3x128xi32, #tpu.memory_space<hbm>>
      %dma_wait3A_112 = arith.constant 0 : i32
      %dma_wait3A_113 = arith.constant 0 : i32
      %dma_wait3A_114 = tpu.memref_slice %arg7[%run_scoped3A_7, %dma_wait3A_112, %dma_wait3A_113] : memref<2x3x128xi32, #tpu.memory_space<vmem>> -> memref<1x3x128xi32, #tpu.memory_space<vmem>>
      %dma_wait3A_115 = tpu.memref_squeeze %dma_wait3A_114 : memref<1x3x128xi32, #tpu.memory_space<vmem>> -> memref<3x128xi32, #tpu.memory_space<vmem>>
      %dma_wait3A_116 = arith.constant 0 : i32
      %dma_wait3A_117 = arith.constant 0 : i32
      %dma_wait3A_118 = tpu.memref_slice %arg3[%run_scoped3A, %add3A, %dma_wait3A_116, %dma_wait3A_117] : memref<27x32x3x128xi32, #tpu.memory_space<hbm>> -> memref<1x1x3x128xi32, #tpu.memory_space<hbm>>
      %dma_wait3A_119 = tpu.memref_squeeze %dma_wait3A_118 : memref<1x1x3x128xi32, #tpu.memory_space<hbm>> -> memref<3x128xi32, #tpu.memory_space<hbm>>
      tpu.wait_dma2 semaphore(%run_scoped3A_87 : memref<!tpu.dma_semaphore, #tpu.memory_space<semaphore_mem>>) src(%dma_wait3A_119 : memref<3x128xi32, #tpu.memory_space<hbm>>) dst(%dma_wait3A_115 : memref<3x128xi32, #tpu.memory_space<vmem>>)
      tpu.yield
    }) : () -> ()
    %run_scoped3A_8 = arith.constant 0 : i32
    "tpu.region"() ({
      %run_scoped3A_87 = tpu.sem_alloc : memref<!tpu.dma_semaphore, #tpu.memory_space<semaphore_mem>>
      %dma_start3A_88 = arith.constant 0 : i32
      %dma_start3A_89 = arith.constant 0 : i32
      %dma_start3A_90 = tpu.memref_slice %arg4[%run_scoped3A_8, %add3A, %dma_start3A_88, %dma_start3A_89] : memref<27x32x3x128xi32, #tpu.memory_space<hbm>> -> memref<1x1x3x128xi32, #tpu.memory_space<hbm>>
      %dma_start3A_91 = tpu.memref_squeeze %dma_start3A_90 : memref<1x1x3x128xi32, #tpu.memory_space<hbm>> -> memref<3x128xi32, #tpu.memory_space<hbm>>
      %dma_start3A_92 = arith.constant 0 : i32
      %dma_start3A_93 = arith.constant 0 : i32
      %dma_start3A_94 = tpu.memref_slice %arg4[%run_scoped3A_8, %add3A, %dma_start3A_92, %dma_start3A_93] : memref<27x32x3x128xi32, #tpu.memory_space<hbm>> -> memref<1x1x3x128xi32, #tpu.memory_space<hbm>>
      %dma_start3A_95 = tpu.memref_squeeze %dma_start3A_94 : memref<1x1x3x128xi32, #tpu.memory_space<hbm>> -> memref<3x128xi32, #tpu.memory_space<hbm>>
      tpu.enqueue_dma source(%dma_start3A_95 : memref<3x128xi32, #tpu.memory_space<hbm>>) target(%arg8 : memref<3x128xi32, #tpu.memory_space<vmem>>) target_semaphore(%run_scoped3A_87 : memref<!tpu.dma_semaphore, #tpu.memory_space<semaphore_mem>>)
      %dma_wait3A_96 = arith.constant 0 : i32
      %dma_wait3A_97 = arith.constant 0 : i32
      %dma_wait3A_98 = tpu.memref_slice %arg4[%run_scoped3A_8, %add3A, %dma_wait3A_96, %dma_wait3A_97] : memref<27x32x3x128xi32, #tpu.memory_space<hbm>> -> memref<1x1x3x128xi32, #tpu.memory_space<hbm>>
      %dma_wait3A_99 = tpu.memref_squeeze %dma_wait3A_98 : memref<1x1x3x128xi32, #tpu.memory_space<hbm>> -> memref<3x128xi32, #tpu.memory_space<hbm>>
      %dma_wait3A_100 = arith.constant 0 : i32
      %dma_wait3A_101 = arith.constant 0 : i32
      %dma_wait3A_102 = tpu.memref_slice %arg4[%run_scoped3A_8, %add3A, %dma_wait3A_100, %dma_wait3A_101] : memref<27x32x3x128xi32, #tpu.memory_space<hbm>> -> memref<1x1x3x128xi32, #tpu.memory_space<hbm>>
      %dma_wait3A_103 = tpu.memref_squeeze %dma_wait3A_102 : memref<1x1x3x128xi32, #tpu.memory_space<hbm>> -> memref<3x128xi32, #tpu.memory_space<hbm>>
      tpu.wait_dma2 semaphore(%run_scoped3A_87 : memref<!tpu.dma_semaphore, #tpu.memory_space<semaphore_mem>>) src(%dma_wait3A_103 : memref<3x128xi32, #tpu.memory_space<hbm>>) dst(%arg8 : memref<3x128xi32, #tpu.memory_space<vmem>>)
      tpu.yield
    }) : () -> ()
    %dma_start3A = arith.constant 1 : i32
    %dma_start3A_9 = arith.constant 1 : i32
    %dma_start3A_10 = arith.constant 0 : i32
    %dma_start3A_11 = arith.constant 0 : i32
    %dma_start3A_12 = tpu.memref_slice %arg7[%dma_start3A_9, %dma_start3A_10, %dma_start3A_11] : memref<2x3x128xi32, #tpu.memory_space<vmem>> -> memref<1x3x128xi32, #tpu.memory_space<vmem>>
    %dma_start3A_13 = tpu.memref_squeeze %dma_start3A_12 : memref<1x3x128xi32, #tpu.memory_space<vmem>> -> memref<3x128xi32, #tpu.memory_space<vmem>>
    %dma_start3A_14 = arith.constant 0 : i32
    %dma_start3A_15 = arith.constant 0 : i32
    %dma_start3A_16 = tpu.memref_slice %arg3[%dma_start3A, %add3A, %dma_start3A_14, %dma_start3A_15] : memref<27x32x3x128xi32, #tpu.memory_space<hbm>> -> memref<1x1x3x128xi32, #tpu.memory_space<hbm>>
    %dma_start3A_17 = tpu.memref_squeeze %dma_start3A_16 : memref<1x1x3x128xi32, #tpu.memory_space<hbm>> -> memref<3x128xi32, #tpu.memory_space<hbm>>
    %dma_start3A_18 = arith.constant 0 : i32
    %dma_start3A_19 = arith.constant 0 : i32
    %dma_start3A_20 = tpu.memref_slice %arg7[%dma_start3A_9, %dma_start3A_18, %dma_start3A_19] : memref<2x3x128xi32, #tpu.memory_space<vmem>> -> memref<1x3x128xi32, #tpu.memory_space<vmem>>
    %dma_start3A_21 = tpu.memref_squeeze %dma_start3A_20 : memref<1x3x128xi32, #tpu.memory_space<vmem>> -> memref<3x128xi32, #tpu.memory_space<vmem>>
    %dma_start3A_22 = arith.constant 0 : i32
    %dma_start3A_23 = arith.constant 0 : i32
    %dma_start3A_24 = tpu.memref_slice %arg3[%dma_start3A, %add3A, %dma_start3A_22, %dma_start3A_23] : memref<27x32x3x128xi32, #tpu.memory_space<hbm>> -> memref<1x1x3x128xi32, #tpu.memory_space<hbm>>
    %dma_start3A_25 = tpu.memref_squeeze %dma_start3A_24 : memref<1x1x3x128xi32, #tpu.memory_space<hbm>> -> memref<3x128xi32, #tpu.memory_space<hbm>>
    tpu.enqueue_dma source(%dma_start3A_25 : memref<3x128xi32, #tpu.memory_space<hbm>>) target(%dma_start3A_21 : memref<3x128xi32, #tpu.memory_space<vmem>>) target_semaphore(%arg19 : memref<!tpu.dma_semaphore, #tpu.memory_space<semaphore_mem>>)
    %dma_start3A_26 = arith.constant 0 : i32
    %dma_start3A_27 = arith.constant 0 : i32
    %dma_start3A_28 = arith.constant 0 : i32
    %dma_start3A_29 = tpu.memref_slice %arg7[%dma_start3A_26, %dma_start3A_27, %dma_start3A_28] : memref<2x3x128xi32, #tpu.memory_space<vmem>> -> memref<1x1x128xi32, #tpu.memory_space<vmem>>
    %dma_start3A_30 = tpu.memref_squeeze %dma_start3A_29 : memref<1x1x128xi32, #tpu.memory_space<vmem>> -> memref<128xi32, #tpu.memory_space<vmem>>
    %dma_start3A_31 = arith.constant 0 : i32
    %dma_start3A_32 = arith.constant 0 : i32
    %dma_start3A_33 = tpu.memref_slice %arg2[%dma_start3A_31, %dma_start3A_32] : memref<10128x128xf32, #tpu.memory_space<hbm>> -> memref<10128x128xf32, #tpu.memory_space<hbm>>
    tpu.enqueue_indirect_dma source(%dma_start3A_33 : memref<10128x128xf32, #tpu.memory_space<hbm>>) target(%arg9 : memref<128x128xf32, #tpu.memory_space<vmem>>) offsets(%dma_start3A_30 : memref<128xi32, #tpu.memory_space<vmem>>) semaphore(%arg13 : memref<!tpu.dma_semaphore, #tpu.memory_space<semaphore_mem>>)
    %dma_start3A_34 = arith.constant 0 : i32
    %dma_start3A_35 = arith.constant 1 : i32
    %dma_start3A_36 = arith.constant 0 : i32
    %dma_start3A_37 = tpu.memref_slice %arg7[%dma_start3A_34, %dma_start3A_35, %dma_start3A_36] : memref<2x3x128xi32, #tpu.memory_space<vmem>> -> memref<1x1x128xi32, #tpu.memory_space<vmem>>
    %dma_start3A_38 = tpu.memref_squeeze %dma_start3A_37 : memref<1x1x128xi32, #tpu.memory_space<vmem>> -> memref<128xi32, #tpu.memory_space<vmem>>
    %dma_start3A_39 = arith.constant 0 : i32
    %dma_start3A_40 = arith.constant 0 : i32
    %dma_start3A_41 = tpu.memref_slice %arg2[%dma_start3A_39, %dma_start3A_40] : memref<10128x128xf32, #tpu.memory_space<hbm>> -> memref<10128x128xf32, #tpu.memory_space<hbm>>
    tpu.enqueue_indirect_dma source(%dma_start3A_41 : memref<10128x128xf32, #tpu.memory_space<hbm>>) target(%arg10 : memref<128x128xf32, #tpu.memory_space<vmem>>) offsets(%dma_start3A_38 : memref<128xi32, #tpu.memory_space<vmem>>) semaphore(%arg14 : memref<!tpu.dma_semaphore, #tpu.memory_space<semaphore_mem>>)
    %dma_start3A_42 = arith.constant 0 : i32
    %dma_start3A_43 = arith.constant 2 : i32
    %dma_start3A_44 = arith.constant 0 : i32
    %dma_start3A_45 = tpu.memref_slice %arg7[%dma_start3A_42, %dma_start3A_43, %dma_start3A_44] : memref<2x3x128xi32, #tpu.memory_space<vmem>> -> memref<1x1x128xi32, #tpu.memory_space<vmem>>
    %dma_start3A_46 = tpu.memref_squeeze %dma_start3A_45 : memref<1x1x128xi32, #tpu.memory_space<vmem>> -> memref<128xi32, #tpu.memory_space<vmem>>
    %dma_start3A_47 = arith.constant 0 : i32
    %dma_start3A_48 = arith.constant 0 : i32
    %dma_start3A_49 = tpu.memref_slice %arg2[%dma_start3A_47, %dma_start3A_48] : memref<10128x128xf32, #tpu.memory_space<hbm>> -> memref<10128x128xf32, #tpu.memory_space<hbm>>
    tpu.enqueue_indirect_dma source(%dma_start3A_49 : memref<10128x128xf32, #tpu.memory_space<hbm>>) target(%arg11 : memref<128x128xf32, #tpu.memory_space<vmem>>) offsets(%dma_start3A_46 : memref<128xi32, #tpu.memory_space<vmem>>) semaphore(%arg15 : memref<!tpu.dma_semaphore, #tpu.memory_space<semaphore_mem>>)
    %scan3A = arith.constant 0 : i32
    %scan3A_50 = arith.constant 0 : i32
    %scan3A_51 = arith.constant 27 : i32
    %scan3A_52 = arith.addi %scan3A_50, %scan3A_51 : i32
    %scan3A_53 = arith.constant 1 : i32
    %scan3A_54 = scf.for %scan3A_87 = %scan3A_50 to %scan3A_52 step %scan3A_53 iter_args(%scan3A_88 = %scan3A) -> (i32)  : i32 {
      %rem3A = arith.constant 2 : i32
      %rem3A_89 = arith.remsi %scan3A_87, %rem3A : i32
      %add3A_90 = arith.constant 1 : i32
      %add3A_91 = arith.addi %scan3A_87, %add3A_90 : i32
      %rem3A_92 = arith.constant 2 : i32
      %rem3A_93 = arith.remsi %add3A_91, %rem3A_92 : i32
      %gt3A = arith.constant 0 : i32
      %gt3A_94 = arith.cmpi sgt, %scan3A_87, %gt3A : i32
      %convert_element_type3A_95 = arith.extui %gt3A_94 : i1 to i32
      %cond3A_96 = arith.constant 0 : i32
      %cond3A_97 = arith.cmpi ne, %convert_element_type3A_95, %cond3A_96 : i32
      scf.if %cond3A_97 {
        %dma_wait3A_148 = arith.constant 0 : i32
        %dma_wait3A_149 = arith.constant 0 : i32
        %dma_wait3A_150 = arith.constant 0 : i32
        %dma_wait3A_151 = tpu.memref_slice %arg4[%dma_wait3A_148, %add3A, %dma_wait3A_149, %dma_wait3A_150] : memref<27x32x3x128xi32, #tpu.memory_space<hbm>> -> memref<1x1x3x128xi32, #tpu.memory_space<hbm>>
        %dma_wait3A_152 = tpu.memref_squeeze %dma_wait3A_151 : memref<1x1x3x128xi32, #tpu.memory_space<hbm>> -> memref<3x128xi32, #tpu.memory_space<hbm>>
        %dma_wait3A_153 = arith.constant 0 : i32
        %dma_wait3A_154 = arith.constant 0 : i32
        %dma_wait3A_155 = tpu.memref_slice %arg4[%dma_wait3A_148, %add3A, %dma_wait3A_153, %dma_wait3A_154] : memref<27x32x3x128xi32, #tpu.memory_space<hbm>> -> memref<1x1x3x128xi32, #tpu.memory_space<hbm>>
        %dma_wait3A_156 = tpu.memref_squeeze %dma_wait3A_155 : memref<1x1x3x128xi32, #tpu.memory_space<hbm>> -> memref<3x128xi32, #tpu.memory_space<hbm>>
        tpu.wait_dma2 semaphore(%arg20 : memref<!tpu.dma_semaphore, #tpu.memory_space<semaphore_mem>>) src(%dma_wait3A_156 : memref<3x128xi32, #tpu.memory_space<hbm>>) dst(%arg8 : memref<3x128xi32, #tpu.memory_space<vmem>>)
      } else {
      }
      %dma_wait3A_98 = arith.constant 0 : i32
      %dma_wait3A_99 = arith.constant 0 : i32
      %dma_wait3A_100 = tpu.memref_slice %arg7[%rem3A_89, %dma_wait3A_98, %dma_wait3A_99] : memref<2x3x128xi32, #tpu.memory_space<vmem>> -> memref<1x1x128xi32, #tpu.memory_space<vmem>>
      %dma_wait3A_101 = tpu.memref_squeeze %dma_wait3A_100 : memref<1x1x128xi32, #tpu.memory_space<vmem>> -> memref<128xi32, #tpu.memory_space<vmem>>
      %dma_wait3A_102 = arith.constant 0 : i32
      %dma_wait3A_103 = arith.constant 0 : i32
      %dma_wait3A_104 = tpu.memref_slice %arg2[%dma_wait3A_102, %dma_wait3A_103] : memref<10128x128xf32, #tpu.memory_space<hbm>> -> memref<10128x128xf32, #tpu.memory_space<hbm>>
      tpu.wait_indirect_dma semaphore(%arg13 : memref<!tpu.dma_semaphore, #tpu.memory_space<semaphore_mem>>) src(%dma_wait3A_104 : memref<10128x128xf32, #tpu.memory_space<hbm>>) dst(%arg9 : memref<128x128xf32, #tpu.memory_space<vmem>>)
      %dma_start3A_105 = arith.constant 0 : i32
      %dma_start3A_106 = arith.constant 0 : i32
      %dma_start3A_107 = tpu.memref_slice %arg8[%dma_start3A_105, %dma_start3A_106] : memref<3x128xi32, #tpu.memory_space<vmem>> -> memref<1x128xi32, #tpu.memory_space<vmem>>
      %dma_start3A_108 = tpu.memref_squeeze %dma_start3A_107 : memref<1x128xi32, #tpu.memory_space<vmem>> -> memref<128xi32, #tpu.memory_space<vmem>>
      %dma_start3A_109 = arith.constant 0 : i32
      %dma_start3A_110 = arith.constant 0 : i32
      %dma_start3A_111 = tpu.memref_slice %arg12[%dma_start3A_109, %dma_start3A_110] : memref<10000x128xf32, #tpu.memory_space<vmem_shared>> -> memref<10000x128xf32, #tpu.memory_space<vmem_shared>>
      tpu.enqueue_indirect_dma source(%arg9 : memref<128x128xf32, #tpu.memory_space<vmem>>) target(%dma_start3A_111 : memref<10000x128xf32, #tpu.memory_space<vmem_shared>>) offsets(%dma_start3A_108 : memref<128xi32, #tpu.memory_space<vmem>>) semaphore(%arg16 : memref<!tpu.dma_semaphore, #tpu.memory_space<semaphore_mem>>) {add = true}
      %dma_wait3A_112 = arith.constant 1 : i32
      %dma_wait3A_113 = arith.constant 0 : i32
      %dma_wait3A_114 = tpu.memref_slice %arg7[%rem3A_89, %dma_wait3A_112, %dma_wait3A_113] : memref<2x3x128xi32, #tpu.memory_space<vmem>> -> memref<1x1x128xi32, #tpu.memory_space<vmem>>
      %dma_wait3A_115 = tpu.memref_squeeze %dma_wait3A_114 : memref<1x1x128xi32, #tpu.memory_space<vmem>> -> memref<128xi32, #tpu.memory_space<vmem>>
      %dma_wait3A_116 = arith.constant 0 : i32
      %dma_wait3A_117 = arith.constant 0 : i32
      %dma_wait3A_118 = tpu.memref_slice %arg2[%dma_wait3A_116, %dma_wait3A_117] : memref<10128x128xf32, #tpu.memory_space<hbm>> -> memref<10128x128xf32, #tpu.memory_space<hbm>>
      tpu.wait_indirect_dma semaphore(%arg14 : memref<!tpu.dma_semaphore, #tpu.memory_space<semaphore_mem>>) src(%dma_wait3A_118 : memref<10128x128xf32, #tpu.memory_space<hbm>>) dst(%arg10 : memref<128x128xf32, #tpu.memory_space<vmem>>)
      %dma_start3A_119 = arith.constant 1 : i32
      %dma_start3A_120 = arith.constant 0 : i32
      %dma_start3A_121 = tpu.memref_slice %arg8[%dma_start3A_119, %dma_start3A_120] : memref<3x128xi32, #tpu.memory_space<vmem>> -> memref<1x128xi32, #tpu.memory_space<vmem>>
      %dma_start3A_122 = tpu.memref_squeeze %dma_start3A_121 : memref<1x128xi32, #tpu.memory_space<vmem>> -> memref<128xi32, #tpu.memory_space<vmem>>
      %dma_start3A_123 = arith.constant 0 : i32
      %dma_start3A_124 = arith.constant 0 : i32
      %dma_start3A_125 = tpu.memref_slice %arg12[%dma_start3A_123, %dma_start3A_124] : memref<10000x128xf32, #tpu.memory_space<vmem_shared>> -> memref<10000x128xf32, #tpu.memory_space<vmem_shared>>
      tpu.enqueue_indirect_dma source(%arg10 : memref<128x128xf32, #tpu.memory_space<vmem>>) target(%dma_start3A_125 : memref<10000x128xf32, #tpu.memory_space<vmem_shared>>) offsets(%dma_start3A_122 : memref<128xi32, #tpu.memory_space<vmem>>) semaphore(%arg17 : memref<!tpu.dma_semaphore, #tpu.memory_space<semaphore_mem>>) {add = true}
      %dma_wait3A_126 = arith.constant 2 : i32
      %dma_wait3A_127 = arith.constant 0 : i32
      %dma_wait3A_128 = tpu.memref_slice %arg7[%rem3A_89, %dma_wait3A_126, %dma_wait3A_127] : memref<2x3x128xi32, #tpu.memory_space<vmem>> -> memref<1x1x128xi32, #tpu.memory_space<vmem>>
      %dma_wait3A_129 = tpu.memref_squeeze %dma_wait3A_128 : memref<1x1x128xi32, #tpu.memory_space<vmem>> -> memref<128xi32, #tpu.memory_space<vmem>>
      %dma_wait3A_130 = arith.constant 0 : i32
      %dma_wait3A_131 = arith.constant 0 : i32
      %dma_wait3A_132 = tpu.memref_slice %arg2[%dma_wait3A_130, %dma_wait3A_131] : memref<10128x128xf32, #tpu.memory_space<hbm>> -> memref<10128x128xf32, #tpu.memory_space<hbm>>
      tpu.wait_indirect_dma semaphore(%arg15 : memref<!tpu.dma_semaphore, #tpu.memory_space<semaphore_mem>>) src(%dma_wait3A_132 : memref<10128x128xf32, #tpu.memory_space<hbm>>) dst(%arg11 : memref<128x128xf32, #tpu.memory_space<vmem>>)
      %dma_start3A_133 = arith.constant 2 : i32
      %dma_start3A_134 = arith.constant 0 : i32
      %dma_start3A_135 = tpu.memref_slice %arg8[%dma_start3A_133, %dma_start3A_134] : memref<3x128xi32, #tpu.memory_space<vmem>> -> memref<1x128xi32, #tpu.memory_space<vmem>>
      %dma_start3A_136 = tpu.memref_squeeze %dma_start3A_135 : memref<1x128xi32, #tpu.memory_space<vmem>> -> memref<128xi32, #tpu.memory_space<vmem>>
      %dma_start3A_137 = arith.constant 0 : i32
      %dma_start3A_138 = arith.constant 0 : i32
      %dma_start3A_139 = tpu.memref_slice %arg12[%dma_start3A_137, %dma_start3A_138] : memref<10000x128xf32, #tpu.memory_space<vmem_shared>> -> memref<10000x128xf32, #tpu.memory_space<vmem_shared>>
      tpu.enqueue_indirect_dma source(%arg11 : memref<128x128xf32, #tpu.memory_space<vmem>>) target(%dma_start3A_139 : memref<10000x128xf32, #tpu.memory_space<vmem_shared>>) offsets(%dma_start3A_136 : memref<128xi32, #tpu.memory_space<vmem>>) semaphore(%arg18 : memref<!tpu.dma_semaphore, #tpu.memory_space<semaphore_mem>>) {add = true}
      %add3A_140 = arith.constant 1 : i32
      %add3A_141 = arith.addi %scan3A_87, %add3A_140 : i32
      %lt3A_142 = arith.constant 27 : i32
      %lt3A_143 = arith.cmpi slt, %add3A_141, %lt3A_142 : i32
      %convert_element_type3A_144 = arith.extui %lt3A_143 : i1 to i32
      %cond3A_145 = arith.constant 0 : i32
      %cond3A_146 = arith.cmpi ne, %convert_element_type3A_144, %cond3A_145 : i32
      scf.if %cond3A_146 {
        %dma_wait3A_148 = arith.constant 0 : i32
        %dma_wait3A_149 = arith.constant 0 : i32
        %dma_wait3A_150 = arith.constant 0 : i32
        %dma_wait3A_151 = arith.constant 0 : i32
        %dma_wait3A_152 = tpu.memref_slice %arg7[%dma_wait3A_149, %dma_wait3A_150, %dma_wait3A_151] : memref<2x3x128xi32, #tpu.memory_space<vmem>> -> memref<1x3x128xi32, #tpu.memory_space<vmem>>
        %dma_wait3A_153 = tpu.memref_squeeze %dma_wait3A_152 : memref<1x3x128xi32, #tpu.memory_space<vmem>> -> memref<3x128xi32, #tpu.memory_space<vmem>>
        %dma_wait3A_154 = arith.constant 0 : i32
        %dma_wait3A_155 = arith.constant 0 : i32
        %dma_wait3A_156 = tpu.memref_slice %arg3[%dma_wait3A_148, %add3A, %dma_wait3A_154, %dma_wait3A_155] : memref<27x32x3x128xi32, #tpu.memory_space<hbm>> -> memref<1x1x3x128xi32, #tpu.memory_space<hbm>>
        %dma_wait3A_157 = tpu.memref_squeeze %dma_wait3A_156 : memref<1x1x3x128xi32, #tpu.memory_space<hbm>> -> memref<3x128xi32, #tpu.memory_space<hbm>>
        %dma_wait3A_158 = arith.constant 0 : i32
        %dma_wait3A_159 = arith.constant 0 : i32
        %dma_wait3A_160 = tpu.memref_slice %arg7[%dma_wait3A_149, %dma_wait3A_158, %dma_wait3A_159] : memref<2x3x128xi32, #tpu.memory_space<vmem>> -> memref<1x3x128xi32, #tpu.memory_space<vmem>>
        %dma_wait3A_161 = tpu.memref_squeeze %dma_wait3A_160 : memref<1x3x128xi32, #tpu.memory_space<vmem>> -> memref<3x128xi32, #tpu.memory_space<vmem>>
        %dma_wait3A_162 = arith.constant 0 : i32
        %dma_wait3A_163 = arith.constant 0 : i32
        %dma_wait3A_164 = tpu.memref_slice %arg3[%dma_wait3A_148, %add3A, %dma_wait3A_162, %dma_wait3A_163] : memref<27x32x3x128xi32, #tpu.memory_space<hbm>> -> memref<1x1x3x128xi32, #tpu.memory_space<hbm>>
        %dma_wait3A_165 = tpu.memref_squeeze %dma_wait3A_164 : memref<1x1x3x128xi32, #tpu.memory_space<hbm>> -> memref<3x128xi32, #tpu.memory_space<hbm>>
        tpu.wait_dma2 semaphore(%arg19 : memref<!tpu.dma_semaphore, #tpu.memory_space<semaphore_mem>>) src(%dma_wait3A_165 : memref<3x128xi32, #tpu.memory_space<hbm>>) dst(%dma_wait3A_161 : memref<3x128xi32, #tpu.memory_space<vmem>>)
        %dma_wait3A_166 = arith.constant 0 : i32
        %dma_wait3A_167 = arith.constant 0 : i32
        %dma_wait3A_168 = tpu.memref_slice %arg8[%dma_wait3A_166, %dma_wait3A_167] : memref<3x128xi32, #tpu.memory_space<vmem>> -> memref<1x128xi32, #tpu.memory_space<vmem>>
        %dma_wait3A_169 = tpu.memref_squeeze %dma_wait3A_168 : memref<1x128xi32, #tpu.memory_space<vmem>> -> memref<128xi32, #tpu.memory_space<vmem>>
        %dma_wait3A_170 = arith.constant 0 : i32
        %dma_wait3A_171 = arith.constant 0 : i32
        %dma_wait3A_172 = tpu.memref_slice %arg12[%dma_wait3A_170, %dma_wait3A_171] : memref<10000x128xf32, #tpu.memory_space<vmem_shared>> -> memref<10000x128xf32, #tpu.memory_space<vmem_shared>>
        tpu.wait_indirect_dma semaphore(%arg16 : memref<!tpu.dma_semaphore, #tpu.memory_space<semaphore_mem>>) src(%arg9 : memref<128x128xf32, #tpu.memory_space<vmem>>) dst(%dma_wait3A_172 : memref<10000x128xf32, #tpu.memory_space<vmem_shared>>)
        %dma_start3A_173 = arith.constant 0 : i32
        %dma_start3A_174 = arith.constant 0 : i32
        %dma_start3A_175 = tpu.memref_slice %arg7[%rem3A_93, %dma_start3A_173, %dma_start3A_174] : memref<2x3x128xi32, #tpu.memory_space<vmem>> -> memref<1x1x128xi32, #tpu.memory_space<vmem>>
        %dma_start3A_176 = tpu.memref_squeeze %dma_start3A_175 : memref<1x1x128xi32, #tpu.memory_space<vmem>> -> memref<128xi32, #tpu.memory_space<vmem>>
        %dma_start3A_177 = arith.constant 0 : i32
        %dma_start3A_178 = arith.constant 0 : i32
        %dma_start3A_179 = tpu.memref_slice %arg2[%dma_start3A_177, %dma_start3A_178] : memref<10128x128xf32, #tpu.memory_space<hbm>> -> memref<10128x128xf32, #tpu.memory_space<hbm>>
        tpu.enqueue_indirect_dma source(%dma_start3A_179 : memref<10128x128xf32, #tpu.memory_space<hbm>>) target(%arg9 : memref<128x128xf32, #tpu.memory_space<vmem>>) offsets(%dma_start3A_176 : memref<128xi32, #tpu.memory_space<vmem>>) semaphore(%arg13 : memref<!tpu.dma_semaphore, #tpu.memory_space<semaphore_mem>>)
        %dma_wait3A_180 = arith.constant 1 : i32
        %dma_wait3A_181 = arith.constant 0 : i32
        %dma_wait3A_182 = tpu.memref_slice %arg8[%dma_wait3A_180, %dma_wait3A_181] : memref<3x128xi32, #tpu.memory_space<vmem>> -> memref<1x128xi32, #tpu.memory_space<vmem>>
        %dma_wait3A_183 = tpu.memref_squeeze %dma_wait3A_182 : memref<1x128xi32, #tpu.memory_space<vmem>> -> memref<128xi32, #tpu.memory_space<vmem>>
        %dma_wait3A_184 = arith.constant 0 : i32
        %dma_wait3A_185 = arith.constant 0 : i32
        %dma_wait3A_186 = tpu.memref_slice %arg12[%dma_wait3A_184, %dma_wait3A_185] : memref<10000x128xf32, #tpu.memory_space<vmem_shared>> -> memref<10000x128xf32, #tpu.memory_space<vmem_shared>>
        tpu.wait_indirect_dma semaphore(%arg17 : memref<!tpu.dma_semaphore, #tpu.memory_space<semaphore_mem>>) src(%arg10 : memref<128x128xf32, #tpu.memory_space<vmem>>) dst(%dma_wait3A_186 : memref<10000x128xf32, #tpu.memory_space<vmem_shared>>)
        %dma_start3A_187 = arith.constant 1 : i32
        %dma_start3A_188 = arith.constant 0 : i32
        %dma_start3A_189 = tpu.memref_slice %arg7[%rem3A_93, %dma_start3A_187, %dma_start3A_188] : memref<2x3x128xi32, #tpu.memory_space<vmem>> -> memref<1x1x128xi32, #tpu.memory_space<vmem>>
        %dma_start3A_190 = tpu.memref_squeeze %dma_start3A_189 : memref<1x1x128xi32, #tpu.memory_space<vmem>> -> memref<128xi32, #tpu.memory_space<vmem>>
        %dma_start3A_191 = arith.constant 0 : i32
        %dma_start3A_192 = arith.constant 0 : i32
        %dma_start3A_193 = tpu.memref_slice %arg2[%dma_start3A_191, %dma_start3A_192] : memref<10128x128xf32, #tpu.memory_space<hbm>> -> memref<10128x128xf32, #tpu.memory_space<hbm>>
        tpu.enqueue_indirect_dma source(%dma_start3A_193 : memref<10128x128xf32, #tpu.memory_space<hbm>>) target(%arg10 : memref<128x128xf32, #tpu.memory_space<vmem>>) offsets(%dma_start3A_190 : memref<128xi32, #tpu.memory_space<vmem>>) semaphore(%arg14 : memref<!tpu.dma_semaphore, #tpu.memory_space<semaphore_mem>>)
        %dma_wait3A_194 = arith.constant 2 : i32
        %dma_wait3A_195 = arith.constant 0 : i32
        %dma_wait3A_196 = tpu.memref_slice %arg8[%dma_wait3A_194, %dma_wait3A_195] : memref<3x128xi32, #tpu.memory_space<vmem>> -> memref<1x128xi32, #tpu.memory_space<vmem>>
        %dma_wait3A_197 = tpu.memref_squeeze %dma_wait3A_196 : memref<1x128xi32, #tpu.memory_space<vmem>> -> memref<128xi32, #tpu.memory_space<vmem>>
        %dma_wait3A_198 = arith.constant 0 : i32
        %dma_wait3A_199 = arith.constant 0 : i32
        %dma_wait3A_200 = tpu.memref_slice %arg12[%dma_wait3A_198, %dma_wait3A_199] : memref<10000x128xf32, #tpu.memory_space<vmem_shared>> -> memref<10000x128xf32, #tpu.memory_space<vmem_shared>>
        tpu.wait_indirect_dma semaphore(%arg18 : memref<!tpu.dma_semaphore, #tpu.memory_space<semaphore_mem>>) src(%arg11 : memref<128x128xf32, #tpu.memory_space<vmem>>) dst(%dma_wait3A_200 : memref<10000x128xf32, #tpu.memory_space<vmem_shared>>)
        %dma_start3A_201 = arith.constant 2 : i32
        %dma_start3A_202 = arith.constant 0 : i32
        %dma_start3A_203 = tpu.memref_slice %arg7[%rem3A_93, %dma_start3A_201, %dma_start3A_202] : memref<2x3x128xi32, #tpu.memory_space<vmem>> -> memref<1x1x128xi32, #tpu.memory_space<vmem>>
        %dma_start3A_204 = tpu.memref_squeeze %dma_start3A_203 : memref<1x1x128xi32, #tpu.memory_space<vmem>> -> memref<128xi32, #tpu.memory_space<vmem>>
        %dma_start3A_205 = arith.constant 0 : i32
        %dma_start3A_206 = arith.constant 0 : i32
        %dma_start3A_207 = tpu.memref_slice %arg2[%dma_start3A_205, %dma_start3A_206] : memref<10128x128xf32, #tpu.memory_space<hbm>> -> memref<10128x128xf32, #tpu.memory_space<hbm>>
        tpu.enqueue_indirect_dma source(%dma_start3A_207 : memref<10128x128xf32, #tpu.memory_space<hbm>>) target(%arg11 : memref<128x128xf32, #tpu.memory_space<vmem>>) offsets(%dma_start3A_204 : memref<128xi32, #tpu.memory_space<vmem>>) semaphore(%arg15 : memref<!tpu.dma_semaphore, #tpu.memory_space<semaphore_mem>>)
        %add3A_208 = arith.constant 1 : i32
        %add3A_209 = arith.addi %scan3A_87, %add3A_208 : i32
        %dma_start3A_210 = arith.constant 0 : i32
        %dma_start3A_211 = arith.constant 0 : i32
        %dma_start3A_212 = tpu.memref_slice %arg4[%add3A_209, %add3A, %dma_start3A_210, %dma_start3A_211] : memref<27x32x3x128xi32, #tpu.memory_space<hbm>> -> memref<1x1x3x128xi32, #tpu.memory_space<hbm>>
        %dma_start3A_213 = tpu.memref_squeeze %dma_start3A_212 : memref<1x1x3x128xi32, #tpu.memory_space<hbm>> -> memref<3x128xi32, #tpu.memory_space<hbm>>
        %dma_start3A_214 = arith.constant 0 : i32
        %dma_start3A_215 = arith.constant 0 : i32
        %dma_start3A_216 = tpu.memref_slice %arg4[%add3A_209, %add3A, %dma_start3A_214, %dma_start3A_215] : memref<27x32x3x128xi32, #tpu.memory_space<hbm>> -> memref<1x1x3x128xi32, #tpu.memory_space<hbm>>
        %dma_start3A_217 = tpu.memref_squeeze %dma_start3A_216 : memref<1x1x3x128xi32, #tpu.memory_space<hbm>> -> memref<3x128xi32, #tpu.memory_space<hbm>>
        tpu.enqueue_dma source(%dma_start3A_217 : memref<3x128xi32, #tpu.memory_space<hbm>>) target(%arg8 : memref<3x128xi32, #tpu.memory_space<vmem>>) target_semaphore(%arg20 : memref<!tpu.dma_semaphore, #tpu.memory_space<semaphore_mem>>)
        %add3A_218 = arith.constant 2 : i32
        %add3A_219 = arith.addi %scan3A_87, %add3A_218 : i32
        %lt3A_220 = arith.constant 27 : i32
        %lt3A_221 = arith.cmpi slt, %add3A_219, %lt3A_220 : i32
        %convert_element_type3A_222 = arith.extui %lt3A_221 : i1 to i32
        %cond3A_223 = arith.constant 0 : i32
        %cond3A_224 = arith.cmpi ne, %convert_element_type3A_222, %cond3A_223 : i32
        scf.if %cond3A_224 {
          %add3A_225 = arith.constant 2 : i32
          %add3A_226 = arith.addi %scan3A_87, %add3A_225 : i32
          %dma_start3A_227 = arith.constant 0 : i32
          %dma_start3A_228 = arith.constant 0 : i32
          %dma_start3A_229 = tpu.memref_slice %arg7[%rem3A_89, %dma_start3A_227, %dma_start3A_228] : memref<2x3x128xi32, #tpu.memory_space<vmem>> -> memref<1x3x128xi32, #tpu.memory_space<vmem>>
          %dma_start3A_230 = tpu.memref_squeeze %dma_start3A_229 : memref<1x3x128xi32, #tpu.memory_space<vmem>> -> memref<3x128xi32, #tpu.memory_space<vmem>>
          %dma_start3A_231 = arith.constant 0 : i32
          %dma_start3A_232 = arith.constant 0 : i32
          %dma_start3A_233 = tpu.memref_slice %arg3[%add3A_226, %add3A, %dma_start3A_231, %dma_start3A_232] : memref<27x32x3x128xi32, #tpu.memory_space<hbm>> -> memref<1x1x3x128xi32, #tpu.memory_space<hbm>>
          %dma_start3A_234 = tpu.memref_squeeze %dma_start3A_233 : memref<1x1x3x128xi32, #tpu.memory_space<hbm>> -> memref<3x128xi32, #tpu.memory_space<hbm>>
          %dma_start3A_235 = arith.constant 0 : i32
          %dma_start3A_236 = arith.constant 0 : i32
          %dma_start3A_237 = tpu.memref_slice %arg7[%rem3A_89, %dma_start3A_235, %dma_start3A_236] : memref<2x3x128xi32, #tpu.memory_space<vmem>> -> memref<1x3x128xi32, #tpu.memory_space<vmem>>
          %dma_start3A_238 = tpu.memref_squeeze %dma_start3A_237 : memref<1x3x128xi32, #tpu.memory_space<vmem>> -> memref<3x128xi32, #tpu.memory_space<vmem>>
          %dma_start3A_239 = arith.constant 0 : i32
          %dma_start3A_240 = arith.constant 0 : i32
          %dma_start3A_241 = tpu.memref_slice %arg3[%add3A_226, %add3A, %dma_start3A_239, %dma_start3A_240] : memref<27x32x3x128xi32, #tpu.memory_space<hbm>> -> memref<1x1x3x128xi32, #tpu.memory_space<hbm>>
          %dma_start3A_242 = tpu.memref_squeeze %dma_start3A_241 : memref<1x1x3x128xi32, #tpu.memory_space<hbm>> -> memref<3x128xi32, #tpu.memory_space<hbm>>
          tpu.enqueue_dma source(%dma_start3A_242 : memref<3x128xi32, #tpu.memory_space<hbm>>) target(%dma_start3A_238 : memref<3x128xi32, #tpu.memory_space<vmem>>) target_semaphore(%arg19 : memref<!tpu.dma_semaphore, #tpu.memory_space<semaphore_mem>>)
        } else {
        }
      } else {
      }
      %scan3A_147 = arith.constant 0 : i32
      scf.yield %scan3A_147 : i32
    }
    %scan3A_55 = arith.constant 27 : i32
    %dma_wait3A = arith.constant 0 : i32
    %dma_wait3A_56 = arith.constant 0 : i32
    %dma_wait3A_57 = tpu.memref_slice %arg8[%dma_wait3A, %dma_wait3A_56] : memref<3x128xi32, #tpu.memory_space<vmem>> -> memref<1x128xi32, #tpu.memory_space<vmem>>
    %dma_wait3A_58 = tpu.memref_squeeze %dma_wait3A_57 : memref<1x128xi32, #tpu.memory_space<vmem>> -> memref<128xi32, #tpu.memory_space<vmem>>
    %dma_wait3A_59 = arith.constant 0 : i32
    %dma_wait3A_60 = arith.constant 0 : i32
    %dma_wait3A_61 = tpu.memref_slice %arg12[%dma_wait3A_59, %dma_wait3A_60] : memref<10000x128xf32, #tpu.memory_space<vmem_shared>> -> memref<10000x128xf32, #tpu.memory_space<vmem_shared>>
    tpu.wait_indirect_dma semaphore(%arg16 : memref<!tpu.dma_semaphore, #tpu.memory_space<semaphore_mem>>) src(%arg9 : memref<128x128xf32, #tpu.memory_space<vmem>>) dst(%dma_wait3A_61 : memref<10000x128xf32, #tpu.memory_space<vmem_shared>>)
    %dma_wait3A_62 = arith.constant 1 : i32
    %dma_wait3A_63 = arith.constant 0 : i32
    %dma_wait3A_64 = tpu.memref_slice %arg8[%dma_wait3A_62, %dma_wait3A_63] : memref<3x128xi32, #tpu.memory_space<vmem>> -> memref<1x128xi32, #tpu.memory_space<vmem>>
    %dma_wait3A_65 = tpu.memref_squeeze %dma_wait3A_64 : memref<1x128xi32, #tpu.memory_space<vmem>> -> memref<128xi32, #tpu.memory_space<vmem>>
    %dma_wait3A_66 = arith.constant 0 : i32
    %dma_wait3A_67 = arith.constant 0 : i32
    %dma_wait3A_68 = tpu.memref_slice %arg12[%dma_wait3A_66, %dma_wait3A_67] : memref<10000x128xf32, #tpu.memory_space<vmem_shared>> -> memref<10000x128xf32, #tpu.memory_space<vmem_shared>>
    tpu.wait_indirect_dma semaphore(%arg17 : memref<!tpu.dma_semaphore, #tpu.memory_space<semaphore_mem>>) src(%arg10 : memref<128x128xf32, #tpu.memory_space<vmem>>) dst(%dma_wait3A_68 : memref<10000x128xf32, #tpu.memory_space<vmem_shared>>)
    %dma_wait3A_69 = arith.constant 2 : i32
    %dma_wait3A_70 = arith.constant 0 : i32
    %dma_wait3A_71 = tpu.memref_slice %arg8[%dma_wait3A_69, %dma_wait3A_70] : memref<3x128xi32, #tpu.memory_space<vmem>> -> memref<1x128xi32, #tpu.memory_space<vmem>>
    %dma_wait3A_72 = tpu.memref_squeeze %dma_wait3A_71 : memref<1x128xi32, #tpu.memory_space<vmem>> -> memref<128xi32, #tpu.memory_space<vmem>>
    %dma_wait3A_73 = arith.constant 0 : i32
    %dma_wait3A_74 = arith.constant 0 : i32
    %dma_wait3A_75 = tpu.memref_slice %arg12[%dma_wait3A_73, %dma_wait3A_74] : memref<10000x128xf32, #tpu.memory_space<vmem_shared>> -> memref<10000x128xf32, #tpu.memory_space<vmem_shared>>
    tpu.wait_indirect_dma semaphore(%arg18 : memref<!tpu.dma_semaphore, #tpu.memory_space<semaphore_mem>>) src(%arg11 : memref<128x128xf32, #tpu.memory_space<vmem>>) dst(%dma_wait3A_75 : memref<10000x128xf32, #tpu.memory_space<vmem_shared>>)
    %barrier3A_76 = arith.constant 0 : index
    tpu.barrier barrier_id(%barrier3A_76)
    %lt3A_77 = arith.constant 15 : i32
    %lt3A_78 = arith.cmpi slt, %arg1, %lt3A_77 : i32
    %convert_element_type3A_79 = arith.extui %lt3A_78 : i1 to i32
    %cond3A_80 = arith.constant 0 : i32
    %cond3A_81 = arith.cmpi ne, %convert_element_type3A_79, %cond3A_80 : i32
    scf.if %cond3A_81 {
      %mul3A_87 = arith.constant 632 : i32
      %mul3A_88 = arith.muli %arg1, %mul3A_87 : i32
      %mul3A_89 = arith.constant 632 : i32
      %mul3A_90 = arith.muli %arg1, %mul3A_89 : i32
      "tpu.region"() ({
        %run_scoped3A_91 = tpu.sem_alloc : memref<!tpu.dma_semaphore, #tpu.memory_space<semaphore_mem>>
        %dma_start3A_92 = arith.constant 0 : i32
        %dma_start3A_93 = tpu.memref_slice %arg6[%arg0, %mul3A_90, %dma_start3A_92] : memref<2x10000x128xf32, #tpu.memory_space<hbm>> -> memref<1x632x128xf32, #tpu.memory_space<hbm>>
        %dma_start3A_94 = tpu.memref_squeeze %dma_start3A_93 : memref<1x632x128xf32, #tpu.memory_space<hbm>> -> memref<632x128xf32, #tpu.memory_space<hbm>>
        %dma_start3A_95 = arith.constant 0 : i32
        %dma_start3A_96 = tpu.memref_slice %arg12[%mul3A_88, %dma_start3A_95] : memref<10000x128xf32, #tpu.memory_space<vmem_shared>> -> memref<632x128xf32, #tpu.memory_space<vmem_shared>>
        tpu.enqueue_dma source(%dma_start3A_96 : memref<632x128xf32, #tpu.memory_space<vmem_shared>>) target(%dma_start3A_94 : memref<632x128xf32, #tpu.memory_space<hbm>>) target_semaphore(%run_scoped3A_91 : memref<!tpu.dma_semaphore, #tpu.memory_space<semaphore_mem>>)
        %dma_wait3A_97 = arith.constant 0 : i32
        %dma_wait3A_98 = tpu.memref_slice %arg6[%arg0, %mul3A_90, %dma_wait3A_97] : memref<2x10000x128xf32, #tpu.memory_space<hbm>> -> memref<1x632x128xf32, #tpu.memory_space<hbm>>
        %dma_wait3A_99 = tpu.memref_squeeze %dma_wait3A_98 : memref<1x632x128xf32, #tpu.memory_space<hbm>> -> memref<632x128xf32, #tpu.memory_space<hbm>>
        %dma_wait3A_100 = arith.constant 0 : i32
        %dma_wait3A_101 = tpu.memref_slice %arg12[%mul3A_88, %dma_wait3A_100] : memref<10000x128xf32, #tpu.memory_space<vmem_shared>> -> memref<632x128xf32, #tpu.memory_space<vmem_shared>>
        tpu.wait_dma2 semaphore(%run_scoped3A_91 : memref<!tpu.dma_semaphore, #tpu.memory_space<semaphore_mem>>) src(%dma_wait3A_101 : memref<632x128xf32, #tpu.memory_space<vmem_shared>>) dst(%dma_wait3A_99 : memref<632x128xf32, #tpu.memory_space<hbm>>)
        tpu.yield
      }) : () -> ()
    } else {
    }
    %eq3A_82 = arith.constant 15 : i32
    %eq3A_83 = arith.cmpi eq, %arg1, %eq3A_82 : i32
    %convert_element_type3A_84 = arith.extui %eq3A_83 : i1 to i32
    %cond3A_85 = arith.constant 0 : i32
    %cond3A_86 = arith.cmpi ne, %convert_element_type3A_84, %cond3A_85 : i32
    scf.if %cond3A_86 {
      "tpu.region"() ({
        %run_scoped3A_87 = tpu.sem_alloc : memref<!tpu.dma_semaphore, #tpu.memory_space<semaphore_mem>>
        %dma_start3A_88 = arith.constant 9480 : i32
        %dma_start3A_89 = arith.constant 0 : i32
        %dma_start3A_90 = tpu.memref_slice %arg6[%arg0, %dma_start3A_88, %dma_start3A_89] : memref<2x10000x128xf32, #tpu.memory_space<hbm>> -> memref<1x520x128xf32, #tpu.memory_space<hbm>>
        %dma_start3A_91 = tpu.memref_squeeze %dma_start3A_90 : memref<1x520x128xf32, #tpu.memory_space<hbm>> -> memref<520x128xf32, #tpu.memory_space<hbm>>
        %dma_start3A_92 = arith.constant 9480 : i32
        %dma_start3A_93 = arith.constant 0 : i32
        %dma_start3A_94 = tpu.memref_slice %arg12[%dma_start3A_92, %dma_start3A_93] : memref<10000x128xf32, #tpu.memory_space<vmem_shared>> -> memref<520x128xf32, #tpu.memory_space<vmem_shared>>
        tpu.enqueue_dma source(%dma_start3A_94 : memref<520x128xf32, #tpu.memory_space<vmem_shared>>) target(%dma_start3A_91 : memref<520x128xf32, #tpu.memory_space<hbm>>) target_semaphore(%run_scoped3A_87 : memref<!tpu.dma_semaphore, #tpu.memory_space<semaphore_mem>>)
        %dma_wait3A_95 = arith.constant 9480 : i32
        %dma_wait3A_96 = arith.constant 0 : i32
        %dma_wait3A_97 = tpu.memref_slice %arg6[%arg0, %dma_wait3A_95, %dma_wait3A_96] : memref<2x10000x128xf32, #tpu.memory_space<hbm>> -> memref<1x520x128xf32, #tpu.memory_space<hbm>>
        %dma_wait3A_98 = tpu.memref_squeeze %dma_wait3A_97 : memref<1x520x128xf32, #tpu.memory_space<hbm>> -> memref<520x128xf32, #tpu.memory_space<hbm>>
        %dma_wait3A_99 = arith.constant 9480 : i32
        %dma_wait3A_100 = arith.constant 0 : i32
        %dma_wait3A_101 = tpu.memref_slice %arg12[%dma_wait3A_99, %dma_wait3A_100] : memref<10000x128xf32, #tpu.memory_space<vmem_shared>> -> memref<520x128xf32, #tpu.memory_space<vmem_shared>>
        tpu.wait_dma2 semaphore(%run_scoped3A_87 : memref<!tpu.dma_semaphore, #tpu.memory_space<semaphore_mem>>) src(%dma_wait3A_101 : memref<520x128xf32, #tpu.memory_space<vmem_shared>>) dst(%dma_wait3A_98 : memref<520x128xf32, #tpu.memory_space<hbm>>)
        tpu.yield
      }) : () -> ()
    } else {
    }
    return
  }
}

#map = affine_map<(d0, d1) -> (0, 0, 0)>
#map1 = affine_map<(d0, d1) -> (0, 0)>
module attributes {stable_mosaic.version = 14 : i64} {
  func.func @_deg_body(%arg0: i32, %arg1: i32, %arg2: memref<32x81x128xi32, #tpu.memory_space<hbm>>, %arg3: memref<128x128xf32, #tpu.memory_space<hbm>>, %arg4: memref<640x128xf32, #tpu.memory_space<hbm>>, %arg5: memref<2x10240x128xf32, #tpu.memory_space<hbm>>, %arg6: memref<81x128xi32, #tpu.memory_space<vmem>>, %arg7: memref<128x128xf32, #tpu.memory_space<vmem>>, %arg8: memref<10240x128xf32, #tpu.memory_space<vmem_shared>>, %arg9: memref<!tpu.dma_semaphore, #tpu.memory_space<semaphore_mem>>) attributes {dimension_semantics = [#tpu.dimension_semantics<core_parallel>, #tpu.dimension_semantics<subcore_parallel>], iteration_bounds = array<i64: 2, 16>, scalar_prefetch = 0 : i64, scratch_operands = 4 : i64, tpu.core_type = #tpu.core_type<sc_vector_subcore>, window_params = [{transform_indices = #map}, {transform_indices = #map1}, {transform_indices = #map1}, {transform_indices = #map}]} {
    %mul3A = arith.constant 16 : i32
    %mul3A_0 = arith.muli %arg0, %mul3A : i32
    %add3A = arith.addi %mul3A_0, %arg1 : i32
    %mul3A_1 = arith.constant 640 : i32
    %mul3A_2 = arith.muli %arg1, %mul3A_1 : i32
    "tpu.region"() ({
      %run_scoped3A = tpu.sem_alloc : memref<!tpu.dma_semaphore, #tpu.memory_space<semaphore_mem>>
      %dma_start3A = arith.constant 0 : i32
      %dma_start3A_21 = tpu.memref_slice %arg8[%mul3A_2, %dma_start3A] : memref<10240x128xf32, #tpu.memory_space<vmem_shared>> -> memref<640x128xf32, #tpu.memory_space<vmem_shared>>
      %dma_start3A_22 = arith.constant 0 : i32
      %dma_start3A_23 = arith.constant 0 : i32
      %dma_start3A_24 = tpu.memref_slice %arg4[%dma_start3A_22, %dma_start3A_23] : memref<640x128xf32, #tpu.memory_space<hbm>> -> memref<640x128xf32, #tpu.memory_space<hbm>>
      tpu.enqueue_dma source(%dma_start3A_24 : memref<640x128xf32, #tpu.memory_space<hbm>>) target(%dma_start3A_21 : memref<640x128xf32, #tpu.memory_space<vmem_shared>>) target_semaphore(%run_scoped3A : memref<!tpu.dma_semaphore, #tpu.memory_space<semaphore_mem>>)
      %dma_wait3A = arith.constant 0 : i32
      %dma_wait3A_25 = tpu.memref_slice %arg8[%mul3A_2, %dma_wait3A] : memref<10240x128xf32, #tpu.memory_space<vmem_shared>> -> memref<640x128xf32, #tpu.memory_space<vmem_shared>>
      %dma_wait3A_26 = arith.constant 0 : i32
      %dma_wait3A_27 = arith.constant 0 : i32
      %dma_wait3A_28 = tpu.memref_slice %arg4[%dma_wait3A_26, %dma_wait3A_27] : memref<640x128xf32, #tpu.memory_space<hbm>> -> memref<640x128xf32, #tpu.memory_space<hbm>>
      tpu.wait_dma2 semaphore(%run_scoped3A : memref<!tpu.dma_semaphore, #tpu.memory_space<semaphore_mem>>) src(%dma_wait3A_28 : memref<640x128xf32, #tpu.memory_space<hbm>>) dst(%dma_wait3A_25 : memref<640x128xf32, #tpu.memory_space<vmem_shared>>)
      tpu.yield
    }) : () -> ()
    "tpu.region"() ({
      %run_scoped3A = tpu.sem_alloc : memref<!tpu.dma_semaphore, #tpu.memory_space<semaphore_mem>>
      tpu.enqueue_dma source(%arg3 : memref<128x128xf32, #tpu.memory_space<hbm>>) target(%arg7 : memref<128x128xf32, #tpu.memory_space<vmem>>) target_semaphore(%run_scoped3A : memref<!tpu.dma_semaphore, #tpu.memory_space<semaphore_mem>>)
      tpu.wait_dma2 semaphore(%run_scoped3A : memref<!tpu.dma_semaphore, #tpu.memory_space<semaphore_mem>>) src(%arg3 : memref<128x128xf32, #tpu.memory_space<hbm>>) dst(%arg7 : memref<128x128xf32, #tpu.memory_space<vmem>>)
      tpu.yield
    }) : () -> ()
    "tpu.region"() ({
      %run_scoped3A = tpu.sem_alloc : memref<!tpu.dma_semaphore, #tpu.memory_space<semaphore_mem>>
      %dma_start3A = arith.constant 0 : i32
      %dma_start3A_21 = arith.constant 0 : i32
      %dma_start3A_22 = tpu.memref_slice %arg2[%add3A, %dma_start3A, %dma_start3A_21] : memref<32x81x128xi32, #tpu.memory_space<hbm>> -> memref<1x81x128xi32, #tpu.memory_space<hbm>>
      %dma_start3A_23 = tpu.memref_squeeze %dma_start3A_22 : memref<1x81x128xi32, #tpu.memory_space<hbm>> -> memref<81x128xi32, #tpu.memory_space<hbm>>
      %dma_start3A_24 = arith.constant 0 : i32
      %dma_start3A_25 = arith.constant 0 : i32
      %dma_start3A_26 = tpu.memref_slice %arg2[%add3A, %dma_start3A_24, %dma_start3A_25] : memref<32x81x128xi32, #tpu.memory_space<hbm>> -> memref<1x81x128xi32, #tpu.memory_space<hbm>>
      %dma_start3A_27 = tpu.memref_squeeze %dma_start3A_26 : memref<1x81x128xi32, #tpu.memory_space<hbm>> -> memref<81x128xi32, #tpu.memory_space<hbm>>
      tpu.enqueue_dma source(%dma_start3A_27 : memref<81x128xi32, #tpu.memory_space<hbm>>) target(%arg6 : memref<81x128xi32, #tpu.memory_space<vmem>>) target_semaphore(%run_scoped3A : memref<!tpu.dma_semaphore, #tpu.memory_space<semaphore_mem>>)
      %dma_wait3A = arith.constant 0 : i32
      %dma_wait3A_28 = arith.constant 0 : i32
      %dma_wait3A_29 = tpu.memref_slice %arg2[%add3A, %dma_wait3A, %dma_wait3A_28] : memref<32x81x128xi32, #tpu.memory_space<hbm>> -> memref<1x81x128xi32, #tpu.memory_space<hbm>>
      %dma_wait3A_30 = tpu.memref_squeeze %dma_wait3A_29 : memref<1x81x128xi32, #tpu.memory_space<hbm>> -> memref<81x128xi32, #tpu.memory_space<hbm>>
      %dma_wait3A_31 = arith.constant 0 : i32
      %dma_wait3A_32 = arith.constant 0 : i32
      %dma_wait3A_33 = tpu.memref_slice %arg2[%add3A, %dma_wait3A_31, %dma_wait3A_32] : memref<32x81x128xi32, #tpu.memory_space<hbm>> -> memref<1x81x128xi32, #tpu.memory_space<hbm>>
      %dma_wait3A_34 = tpu.memref_squeeze %dma_wait3A_33 : memref<1x81x128xi32, #tpu.memory_space<hbm>> -> memref<81x128xi32, #tpu.memory_space<hbm>>
      tpu.wait_dma2 semaphore(%run_scoped3A : memref<!tpu.dma_semaphore, #tpu.memory_space<semaphore_mem>>) src(%dma_wait3A_34 : memref<81x128xi32, #tpu.memory_space<hbm>>) dst(%arg6 : memref<81x128xi32, #tpu.memory_space<vmem>>)
      tpu.yield
    }) : () -> ()
    %barrier3A = arith.constant 0 : index
    tpu.barrier barrier_id(%barrier3A)
    %scan3A = arith.constant 0 : i32
    %scan3A_3 = arith.constant 0 : i32
    %scan3A_4 = arith.constant 81 : i32
    %scan3A_5 = arith.addi %scan3A_3, %scan3A_4 : i32
    %scan3A_6 = arith.constant 1 : i32
    %scan3A_7 = scf.for %scan3A_21 = %scan3A_3 to %scan3A_5 step %scan3A_6 iter_args(%scan3A_22 = %scan3A) -> (i32)  : i32 {
      %dma_start3A = arith.constant 0 : i32
      %dma_start3A_23 = tpu.memref_slice %arg6[%scan3A_21, %dma_start3A] : memref<81x128xi32, #tpu.memory_space<vmem>> -> memref<1x128xi32, #tpu.memory_space<vmem>>
      %dma_start3A_24 = tpu.memref_squeeze %dma_start3A_23 : memref<1x128xi32, #tpu.memory_space<vmem>> -> memref<128xi32, #tpu.memory_space<vmem>>
      %dma_start3A_25 = arith.constant 0 : i32
      %dma_start3A_26 = arith.constant 0 : i32
      %dma_start3A_27 = tpu.memref_slice %arg8[%dma_start3A_25, %dma_start3A_26] : memref<10240x128xf32, #tpu.memory_space<vmem_shared>> -> memref<10240x128xf32, #tpu.memory_space<vmem_shared>>
      tpu.enqueue_indirect_dma source(%arg7 : memref<128x128xf32, #tpu.memory_space<vmem>>) target(%dma_start3A_27 : memref<10240x128xf32, #tpu.memory_space<vmem_shared>>) offsets(%dma_start3A_24 : memref<128xi32, #tpu.memory_space<vmem>>) semaphore(%arg9 : memref<!tpu.dma_semaphore, #tpu.memory_space<semaphore_mem>>) {add = true}
      %scan3A_28 = arith.constant 0 : i32
      scf.yield %scan3A_28 : i32
    }
    %scan3A_8 = arith.constant 81 : i32
    %scan3A_9 = arith.constant 0 : i32
    %scan3A_10 = arith.constant 0 : i32
    %scan3A_11 = arith.constant 81 : i32
    %scan3A_12 = arith.addi %scan3A_10, %scan3A_11 : i32
    %scan3A_13 = arith.constant 1 : i32
    %scan3A_14 = scf.for %scan3A_21 = %scan3A_10 to %scan3A_12 step %scan3A_13 iter_args(%scan3A_22 = %scan3A_9) -> (i32)  : i32 {
      %dma_wait3A = arith.constant 0 : i32
      %dma_wait3A_23 = arith.constant 0 : i32
      %dma_wait3A_24 = tpu.memref_slice %arg6[%dma_wait3A, %dma_wait3A_23] : memref<81x128xi32, #tpu.memory_space<vmem>> -> memref<1x128xi32, #tpu.memory_space<vmem>>
      %dma_wait3A_25 = tpu.memref_squeeze %dma_wait3A_24 : memref<1x128xi32, #tpu.memory_space<vmem>> -> memref<128xi32, #tpu.memory_space<vmem>>
      %dma_wait3A_26 = arith.constant 0 : i32
      %dma_wait3A_27 = arith.constant 0 : i32
      %dma_wait3A_28 = tpu.memref_slice %arg8[%dma_wait3A_26, %dma_wait3A_27] : memref<10240x128xf32, #tpu.memory_space<vmem_shared>> -> memref<10240x128xf32, #tpu.memory_space<vmem_shared>>
      tpu.wait_indirect_dma semaphore(%arg9 : memref<!tpu.dma_semaphore, #tpu.memory_space<semaphore_mem>>) src(%arg7 : memref<128x128xf32, #tpu.memory_space<vmem>>) dst(%dma_wait3A_28 : memref<10240x128xf32, #tpu.memory_space<vmem_shared>>)
      %scan3A_29 = arith.constant 0 : i32
      scf.yield %scan3A_29 : i32
    }
    %scan3A_15 = arith.constant 81 : i32
    %barrier3A_16 = arith.constant 0 : index
    tpu.barrier barrier_id(%barrier3A_16)
    %mul3A_17 = arith.constant 640 : i32
    %mul3A_18 = arith.muli %arg1, %mul3A_17 : i32
    %mul3A_19 = arith.constant 640 : i32
    %mul3A_20 = arith.muli %arg1, %mul3A_19 : i32
    "tpu.region"() ({
      %run_scoped3A = tpu.sem_alloc : memref<!tpu.dma_semaphore, #tpu.memory_space<semaphore_mem>>
      %dma_start3A = arith.constant 0 : i32
      %dma_start3A_21 = tpu.memref_slice %arg5[%arg0, %mul3A_20, %dma_start3A] : memref<2x10240x128xf32, #tpu.memory_space<hbm>> -> memref<1x640x128xf32, #tpu.memory_space<hbm>>
      %dma_start3A_22 = tpu.memref_squeeze %dma_start3A_21 : memref<1x640x128xf32, #tpu.memory_space<hbm>> -> memref<640x128xf32, #tpu.memory_space<hbm>>
      %dma_start3A_23 = arith.constant 0 : i32
      %dma_start3A_24 = tpu.memref_slice %arg8[%mul3A_18, %dma_start3A_23] : memref<10240x128xf32, #tpu.memory_space<vmem_shared>> -> memref<640x128xf32, #tpu.memory_space<vmem_shared>>
      tpu.enqueue_dma source(%dma_start3A_24 : memref<640x128xf32, #tpu.memory_space<vmem_shared>>) target(%dma_start3A_22 : memref<640x128xf32, #tpu.memory_space<hbm>>) target_semaphore(%run_scoped3A : memref<!tpu.dma_semaphore, #tpu.memory_space<semaphore_mem>>)
      %dma_wait3A = arith.constant 0 : i32
      %dma_wait3A_25 = tpu.memref_slice %arg5[%arg0, %mul3A_20, %dma_wait3A] : memref<2x10240x128xf32, #tpu.memory_space<hbm>> -> memref<1x640x128xf32, #tpu.memory_space<hbm>>
      %dma_wait3A_26 = tpu.memref_squeeze %dma_wait3A_25 : memref<1x640x128xf32, #tpu.memory_space<hbm>> -> memref<640x128xf32, #tpu.memory_space<hbm>>
      %dma_wait3A_27 = arith.constant 0 : i32
      %dma_wait3A_28 = tpu.memref_slice %arg8[%mul3A_18, %dma_wait3A_27] : memref<10240x128xf32, #tpu.memory_space<vmem_shared>> -> memref<640x128xf32, #tpu.memory_space<vmem_shared>>
      tpu.wait_dma2 semaphore(%run_scoped3A : memref<!tpu.dma_semaphore, #tpu.memory_space<semaphore_mem>>) src(%dma_wait3A_28 : memref<640x128xf32, #tpu.memory_space<vmem_shared>>) dst(%dma_wait3A_26 : memref<640x128xf32, #tpu.memory_space<hbm>>)
      tpu.yield
    }) : () -> ()
    return
  }
}

#map = affine_map<(d0, d1) -> (0, 0)>
#map1 = affine_map<(d0, d1) -> (0, 0, 0, 0)>
#map2 = affine_map<(d0, d1) -> (0, 0, 0)>
module attributes {stable_mosaic.version = 14 : i64} {
  func.func @_agg_body(%arg0: i32, %arg1: i32, %arg2: memref<10128x128xf32, #tpu.memory_space<hbm>>, %arg3: memref<27x32x3x128xi32, #tpu.memory_space<hbm>>, %arg4: memref<27x32x3x128xi32, #tpu.memory_space<hbm>>, %arg5: memref<632x128xf32, #tpu.memory_space<hbm>>, %arg6: memref<2x10000x128xf32, #tpu.memory_space<hbm>>, %arg7: memref<2x3x128xi32, #tpu.memory_space<vmem>>, %arg8: memref<3x128xi32, #tpu.memory_space<vmem>>, %arg9: memref<128x128xf32, #tpu.memory_space<vmem>>, %arg10: memref<128x128xf32, #tpu.memory_space<vmem>>, %arg11: memref<128x128xf32, #tpu.memory_space<vmem>>, %arg12: memref<10000x128xf32, #tpu.memory_space<vmem_shared>>, %arg13: memref<!tpu.dma_semaphore, #tpu.memory_space<semaphore_mem>>, %arg14: memref<!tpu.dma_semaphore, #tpu.memory_space<semaphore_mem>>, %arg15: memref<!tpu.dma_semaphore, #tpu.memory_space<semaphore_mem>>, %arg16: memref<!tpu.dma_semaphore, #tpu.memory_space<semaphore_mem>>, %arg17: memref<!tpu.dma_semaphore, #tpu.memory_space<semaphore_mem>>, %arg18: memref<!tpu.dma_semaphore, #tpu.memory_space<semaphore_mem>>, %arg19: memref<!tpu.dma_semaphore, #tpu.memory_space<semaphore_mem>>, %arg20: memref<!tpu.dma_semaphore, #tpu.memory_space<semaphore_mem>>) attributes {dimension_semantics = [#tpu.dimension_semantics<core_parallel>, #tpu.dimension_semantics<subcore_parallel>], iteration_bounds = array<i64: 2, 16>, scalar_prefetch = 0 : i64, scratch_operands = 14 : i64, tpu.core_type = #tpu.core_type<sc_vector_subcore>, window_params = [{transform_indices = #map}, {transform_indices = #map1}, {transform_indices = #map1}, {transform_indices = #map}, {transform_indices = #map2}]} {
    %mul3A = arith.constant 16 : i32
    %mul3A_0 = arith.muli %arg0, %mul3A : i32
    %add3A = arith.addi %mul3A_0, %arg1 : i32
    %lt3A = arith.constant 15 : i32
    %lt3A_1 = arith.cmpi slt, %arg1, %lt3A : i32
    %convert_element_type3A = arith.extui %lt3A_1 : i1 to i32
    %cond3A = arith.constant 0 : i32
    %cond3A_2 = arith.cmpi ne, %convert_element_type3A, %cond3A : i32
    scf.if %cond3A_2 {
      %mul3A_87 = arith.constant 632 : i32
      %mul3A_88 = arith.muli %arg1, %mul3A_87 : i32
      "tpu.region"() ({
        %run_scoped3A_89 = tpu.sem_alloc : memref<!tpu.dma_semaphore, #tpu.memory_space<semaphore_mem>>
        %dma_start3A_90 = arith.constant 0 : i32
        %dma_start3A_91 = tpu.memref_slice %arg12[%mul3A_88, %dma_start3A_90] : memref<10000x128xf32, #tpu.memory_space<vmem_shared>> -> memref<632x128xf32, #tpu.memory_space<vmem_shared>>
        %dma_start3A_92 = arith.constant 0 : i32
        %dma_start3A_93 = arith.constant 0 : i32
        %dma_start3A_94 = tpu.memref_slice %arg5[%dma_start3A_92, %dma_start3A_93] : memref<632x128xf32, #tpu.memory_space<hbm>> -> memref<632x128xf32, #tpu.memory_space<hbm>>
        tpu.enqueue_dma source(%dma_start3A_94 : memref<632x128xf32, #tpu.memory_space<hbm>>) target(%dma_start3A_91 : memref<632x128xf32, #tpu.memory_space<vmem_shared>>) target_semaphore(%run_scoped3A_89 : memref<!tpu.dma_semaphore, #tpu.memory_space<semaphore_mem>>)
        %dma_wait3A_95 = arith.constant 0 : i32
        %dma_wait3A_96 = tpu.memref_slice %arg12[%mul3A_88, %dma_wait3A_95] : memref<10000x128xf32, #tpu.memory_space<vmem_shared>> -> memref<632x128xf32, #tpu.memory_space<vmem_shared>>
        %dma_wait3A_97 = arith.constant 0 : i32
        %dma_wait3A_98 = arith.constant 0 : i32
        %dma_wait3A_99 = tpu.memref_slice %arg5[%dma_wait3A_97, %dma_wait3A_98] : memref<632x128xf32, #tpu.memory_space<hbm>> -> memref<632x128xf32, #tpu.memory_space<hbm>>
        tpu.wait_dma2 semaphore(%run_scoped3A_89 : memref<!tpu.dma_semaphore, #tpu.memory_space<semaphore_mem>>) src(%dma_wait3A_99 : memref<632x128xf32, #tpu.memory_space<hbm>>) dst(%dma_wait3A_96 : memref<632x128xf32, #tpu.memory_space<vmem_shared>>)
        tpu.yield
      }) : () -> ()
    } else {
    }
    %eq3A = arith.constant 15 : i32
    %eq3A_3 = arith.cmpi eq, %arg1, %eq3A : i32
    %convert_element_type3A_4 = arith.extui %eq3A_3 : i1 to i32
    %cond3A_5 = arith.constant 0 : i32
    %cond3A_6 = arith.cmpi ne, %convert_element_type3A_4, %cond3A_5 : i32
    scf.if %cond3A_6 {
      "tpu.region"() ({
        %run_scoped3A_87 = tpu.sem_alloc : memref<!tpu.dma_semaphore, #tpu.memory_space<semaphore_mem>>
        %dma_start3A_88 = arith.constant 9480 : i32
        %dma_start3A_89 = arith.constant 0 : i32
        %dma_start3A_90 = tpu.memref_slice %arg12[%dma_start3A_88, %dma_start3A_89] : memref<10000x128xf32, #tpu.memory_space<vmem_shared>> -> memref<520x128xf32, #tpu.memory_space<vmem_shared>>
        %dma_start3A_91 = arith.constant 0 : i32
        %dma_start3A_92 = arith.constant 0 : i32
        %dma_start3A_93 = tpu.memref_slice %arg5[%dma_start3A_91, %dma_start3A_92] : memref<632x128xf32, #tpu.memory_space<hbm>> -> memref<520x128xf32, #tpu.memory_space<hbm>>
        tpu.enqueue_dma source(%dma_start3A_93 : memref<520x128xf32, #tpu.memory_space<hbm>>) target(%dma_start3A_90 : memref<520x128xf32, #tpu.memory_space<vmem_shared>>) target_semaphore(%run_scoped3A_87 : memref<!tpu.dma_semaphore, #tpu.memory_space<semaphore_mem>>)
        %dma_wait3A_94 = arith.constant 9480 : i32
        %dma_wait3A_95 = arith.constant 0 : i32
        %dma_wait3A_96 = tpu.memref_slice %arg12[%dma_wait3A_94, %dma_wait3A_95] : memref<10000x128xf32, #tpu.memory_space<vmem_shared>> -> memref<520x128xf32, #tpu.memory_space<vmem_shared>>
        %dma_wait3A_97 = arith.constant 0 : i32
        %dma_wait3A_98 = arith.constant 0 : i32
        %dma_wait3A_99 = tpu.memref_slice %arg5[%dma_wait3A_97, %dma_wait3A_98] : memref<632x128xf32, #tpu.memory_space<hbm>> -> memref<520x128xf32, #tpu.memory_space<hbm>>
        tpu.wait_dma2 semaphore(%run_scoped3A_87 : memref<!tpu.dma_semaphore, #tpu.memory_space<semaphore_mem>>) src(%dma_wait3A_99 : memref<520x128xf32, #tpu.memory_space<hbm>>) dst(%dma_wait3A_96 : memref<520x128xf32, #tpu.memory_space<vmem_shared>>)
        tpu.yield
      }) : () -> ()
    } else {
    }
    %barrier3A = arith.constant 0 : index
    tpu.barrier barrier_id(%barrier3A)
    %run_scoped3A = arith.constant 0 : i32
    %run_scoped3A_7 = arith.constant 0 : i32
    "tpu.region"() ({
      %run_scoped3A_87 = tpu.sem_alloc : memref<!tpu.dma_semaphore, #tpu.memory_space<semaphore_mem>>
      %dma_start3A_88 = arith.constant 0 : i32
      %dma_start3A_89 = arith.constant 0 : i32
      %dma_start3A_90 = tpu.memref_slice %arg7[%run_scoped3A_7, %dma_start3A_88, %dma_start3A_89] : memref<2x3x128xi32, #tpu.memory_space<vmem>> -> memref<1x3x128xi32, #tpu.memory_space<vmem>>
      %dma_start3A_91 = tpu.memref_squeeze %dma_start3A_90 : memref<1x3x128xi32, #tpu.memory_space<vmem>> -> memref<3x128xi32, #tpu.memory_space<vmem>>
      %dma_start3A_92 = arith.constant 0 : i32
      %dma_start3A_93 = arith.constant 0 : i32
      %dma_start3A_94 = tpu.memref_slice %arg3[%run_scoped3A, %add3A, %dma_start3A_92, %dma_start3A_93] : memref<27x32x3x128xi32, #tpu.memory_space<hbm>> -> memref<1x1x3x128xi32, #tpu.memory_space<hbm>>
      %dma_start3A_95 = tpu.memref_squeeze %dma_start3A_94 : memref<1x1x3x128xi32, #tpu.memory_space<hbm>> -> memref<3x128xi32, #tpu.memory_space<hbm>>
      %dma_start3A_96 = arith.constant 0 : i32
      %dma_start3A_97 = arith.constant 0 : i32
      %dma_start3A_98 = tpu.memref_slice %arg7[%run_scoped3A_7, %dma_start3A_96, %dma_start3A_97] : memref<2x3x128xi32, #tpu.memory_space<vmem>> -> memref<1x3x128xi32, #tpu.memory_space<vmem>>
      %dma_start3A_99 = tpu.memref_squeeze %dma_start3A_98 : memref<1x3x128xi32, #tpu.memory_space<vmem>> -> memref<3x128xi32, #tpu.memory_space<vmem>>
      %dma_start3A_100 = arith.constant 0 : i32
      %dma_start3A_101 = arith.constant 0 : i32
      %dma_start3A_102 = tpu.memref_slice %arg3[%run_scoped3A, %add3A, %dma_start3A_100, %dma_start3A_101] : memref<27x32x3x128xi32, #tpu.memory_space<hbm>> -> memref<1x1x3x128xi32, #tpu.memory_space<hbm>>
      %dma_start3A_103 = tpu.memref_squeeze %dma_start3A_102 : memref<1x1x3x128xi32, #tpu.memory_space<hbm>> -> memref<3x128xi32, #tpu.memory_space<hbm>>
      tpu.enqueue_dma source(%dma_start3A_103 : memref<3x128xi32, #tpu.memory_space<hbm>>) target(%dma_start3A_99 : memref<3x128xi32, #tpu.memory_space<vmem>>) target_semaphore(%run_scoped3A_87 : memref<!tpu.dma_semaphore, #tpu.memory_space<semaphore_mem>>)
      %dma_wait3A_104 = arith.constant 0 : i32
      %dma_wait3A_105 = arith.constant 0 : i32
      %dma_wait3A_106 = tpu.memref_slice %arg7[%run_scoped3A_7, %dma_wait3A_104, %dma_wait3A_105] : memref<2x3x128xi32, #tpu.memory_space<vmem>> -> memref<1x3x128xi32, #tpu.memory_space<vmem>>
      %dma_wait3A_107 = tpu.memref_squeeze %dma_wait3A_106 : memref<1x3x128xi32, #tpu.memory_space<vmem>> -> memref<3x128xi32, #tpu.memory_space<vmem>>
      %dma_wait3A_108 = arith.constant 0 : i32
      %dma_wait3A_109 = arith.constant 0 : i32
      %dma_wait3A_110 = tpu.memref_slice %arg3[%run_scoped3A, %add3A, %dma_wait3A_108, %dma_wait3A_109] : memref<27x32x3x128xi32, #tpu.memory_space<hbm>> -> memref<1x1x3x128xi32, #tpu.memory_space<hbm>>
      %dma_wait3A_111 = tpu.memref_squeeze %dma_wait3A_110 : memref<1x1x3x128xi32, #tpu.memory_space<hbm>> -> memref<3x128xi32, #tpu.memory_space<hbm>>
      %dma_wait3A_112 = arith.constant 0 : i32
      %dma_wait3A_113 = arith.constant 0 : i32
      %dma_wait3A_114 = tpu.memref_slice %arg7[%run_scoped3A_7, %dma_wait3A_112, %dma_wait3A_113] : memref<2x3x128xi32, #tpu.memory_space<vmem>> -> memref<1x3x128xi32, #tpu.memory_space<vmem>>
      %dma_wait3A_115 = tpu.memref_squeeze %dma_wait3A_114 : memref<1x3x128xi32, #tpu.memory_space<vmem>> -> memref<3x128xi32, #tpu.memory_space<vmem>>
      %dma_wait3A_116 = arith.constant 0 : i32
      %dma_wait3A_117 = arith.constant 0 : i32
      %dma_wait3A_118 = tpu.memref_slice %arg3[%run_scoped3A, %add3A, %dma_wait3A_116, %dma_wait3A_117] : memref<27x32x3x128xi32, #tpu.memory_space<hbm>> -> memref<1x1x3x128xi32, #tpu.memory_space<hbm>>
      %dma_wait3A_119 = tpu.memref_squeeze %dma_wait3A_118 : memref<1x1x3x128xi32, #tpu.memory_space<hbm>> -> memref<3x128xi32, #tpu.memory_space<hbm>>
      tpu.wait_dma2 semaphore(%run_scoped3A_87 : memref<!tpu.dma_semaphore, #tpu.memory_space<semaphore_mem>>) src(%dma_wait3A_119 : memref<3x128xi32, #tpu.memory_space<hbm>>) dst(%dma_wait3A_115 : memref<3x128xi32, #tpu.memory_space<vmem>>)
      tpu.yield
    }) : () -> ()
    %run_scoped3A_8 = arith.constant 0 : i32
    "tpu.region"() ({
      %run_scoped3A_87 = tpu.sem_alloc : memref<!tpu.dma_semaphore, #tpu.memory_space<semaphore_mem>>
      %dma_start3A_88 = arith.constant 0 : i32
      %dma_start3A_89 = arith.constant 0 : i32
      %dma_start3A_90 = tpu.memref_slice %arg4[%run_scoped3A_8, %add3A, %dma_start3A_88, %dma_start3A_89] : memref<27x32x3x128xi32, #tpu.memory_space<hbm>> -> memref<1x1x3x128xi32, #tpu.memory_space<hbm>>
      %dma_start3A_91 = tpu.memref_squeeze %dma_start3A_90 : memref<1x1x3x128xi32, #tpu.memory_space<hbm>> -> memref<3x128xi32, #tpu.memory_space<hbm>>
      %dma_start3A_92 = arith.constant 0 : i32
      %dma_start3A_93 = arith.constant 0 : i32
      %dma_start3A_94 = tpu.memref_slice %arg4[%run_scoped3A_8, %add3A, %dma_start3A_92, %dma_start3A_93] : memref<27x32x3x128xi32, #tpu.memory_space<hbm>> -> memref<1x1x3x128xi32, #tpu.memory_space<hbm>>
      %dma_start3A_95 = tpu.memref_squeeze %dma_start3A_94 : memref<1x1x3x128xi32, #tpu.memory_space<hbm>> -> memref<3x128xi32, #tpu.memory_space<hbm>>
      tpu.enqueue_dma source(%dma_start3A_95 : memref<3x128xi32, #tpu.memory_space<hbm>>) target(%arg8 : memref<3x128xi32, #tpu.memory_space<vmem>>) target_semaphore(%run_scoped3A_87 : memref<!tpu.dma_semaphore, #tpu.memory_space<semaphore_mem>>)
      %dma_wait3A_96 = arith.constant 0 : i32
      %dma_wait3A_97 = arith.constant 0 : i32
      %dma_wait3A_98 = tpu.memref_slice %arg4[%run_scoped3A_8, %add3A, %dma_wait3A_96, %dma_wait3A_97] : memref<27x32x3x128xi32, #tpu.memory_space<hbm>> -> memref<1x1x3x128xi32, #tpu.memory_space<hbm>>
      %dma_wait3A_99 = tpu.memref_squeeze %dma_wait3A_98 : memref<1x1x3x128xi32, #tpu.memory_space<hbm>> -> memref<3x128xi32, #tpu.memory_space<hbm>>
      %dma_wait3A_100 = arith.constant 0 : i32
      %dma_wait3A_101 = arith.constant 0 : i32
      %dma_wait3A_102 = tpu.memref_slice %arg4[%run_scoped3A_8, %add3A, %dma_wait3A_100, %dma_wait3A_101] : memref<27x32x3x128xi32, #tpu.memory_space<hbm>> -> memref<1x1x3x128xi32, #tpu.memory_space<hbm>>
      %dma_wait3A_103 = tpu.memref_squeeze %dma_wait3A_102 : memref<1x1x3x128xi32, #tpu.memory_space<hbm>> -> memref<3x128xi32, #tpu.memory_space<hbm>>
      tpu.wait_dma2 semaphore(%run_scoped3A_87 : memref<!tpu.dma_semaphore, #tpu.memory_space<semaphore_mem>>) src(%dma_wait3A_103 : memref<3x128xi32, #tpu.memory_space<hbm>>) dst(%arg8 : memref<3x128xi32, #tpu.memory_space<vmem>>)
      tpu.yield
    }) : () -> ()
    %dma_start3A = arith.constant 1 : i32
    %dma_start3A_9 = arith.constant 1 : i32
    %dma_start3A_10 = arith.constant 0 : i32
    %dma_start3A_11 = arith.constant 0 : i32
    %dma_start3A_12 = tpu.memref_slice %arg7[%dma_start3A_9, %dma_start3A_10, %dma_start3A_11] : memref<2x3x128xi32, #tpu.memory_space<vmem>> -> memref<1x3x128xi32, #tpu.memory_space<vmem>>
    %dma_start3A_13 = tpu.memref_squeeze %dma_start3A_12 : memref<1x3x128xi32, #tpu.memory_space<vmem>> -> memref<3x128xi32, #tpu.memory_space<vmem>>
    %dma_start3A_14 = arith.constant 0 : i32
    %dma_start3A_15 = arith.constant 0 : i32
    %dma_start3A_16 = tpu.memref_slice %arg3[%dma_start3A, %add3A, %dma_start3A_14, %dma_start3A_15] : memref<27x32x3x128xi32, #tpu.memory_space<hbm>> -> memref<1x1x3x128xi32, #tpu.memory_space<hbm>>
    %dma_start3A_17 = tpu.memref_squeeze %dma_start3A_16 : memref<1x1x3x128xi32, #tpu.memory_space<hbm>> -> memref<3x128xi32, #tpu.memory_space<hbm>>
    %dma_start3A_18 = arith.constant 0 : i32
    %dma_start3A_19 = arith.constant 0 : i32
    %dma_start3A_20 = tpu.memref_slice %arg7[%dma_start3A_9, %dma_start3A_18, %dma_start3A_19] : memref<2x3x128xi32, #tpu.memory_space<vmem>> -> memref<1x3x128xi32, #tpu.memory_space<vmem>>
    %dma_start3A_21 = tpu.memref_squeeze %dma_start3A_20 : memref<1x3x128xi32, #tpu.memory_space<vmem>> -> memref<3x128xi32, #tpu.memory_space<vmem>>
    %dma_start3A_22 = arith.constant 0 : i32
    %dma_start3A_23 = arith.constant 0 : i32
    %dma_start3A_24 = tpu.memref_slice %arg3[%dma_start3A, %add3A, %dma_start3A_22, %dma_start3A_23] : memref<27x32x3x128xi32, #tpu.memory_space<hbm>> -> memref<1x1x3x128xi32, #tpu.memory_space<hbm>>
    %dma_start3A_25 = tpu.memref_squeeze %dma_start3A_24 : memref<1x1x3x128xi32, #tpu.memory_space<hbm>> -> memref<3x128xi32, #tpu.memory_space<hbm>>
    tpu.enqueue_dma source(%dma_start3A_25 : memref<3x128xi32, #tpu.memory_space<hbm>>) target(%dma_start3A_21 : memref<3x128xi32, #tpu.memory_space<vmem>>) target_semaphore(%arg19 : memref<!tpu.dma_semaphore, #tpu.memory_space<semaphore_mem>>)
    %dma_start3A_26 = arith.constant 0 : i32
    %dma_start3A_27 = arith.constant 0 : i32
    %dma_start3A_28 = arith.constant 0 : i32
    %dma_start3A_29 = tpu.memref_slice %arg7[%dma_start3A_26, %dma_start3A_27, %dma_start3A_28] : memref<2x3x128xi32, #tpu.memory_space<vmem>> -> memref<1x1x128xi32, #tpu.memory_space<vmem>>
    %dma_start3A_30 = tpu.memref_squeeze %dma_start3A_29 : memref<1x1x128xi32, #tpu.memory_space<vmem>> -> memref<128xi32, #tpu.memory_space<vmem>>
    %dma_start3A_31 = arith.constant 0 : i32
    %dma_start3A_32 = arith.constant 0 : i32
    %dma_start3A_33 = tpu.memref_slice %arg2[%dma_start3A_31, %dma_start3A_32] : memref<10128x128xf32, #tpu.memory_space<hbm>> -> memref<10128x128xf32, #tpu.memory_space<hbm>>
    tpu.enqueue_indirect_dma source(%dma_start3A_33 : memref<10128x128xf32, #tpu.memory_space<hbm>>) target(%arg9 : memref<128x128xf32, #tpu.memory_space<vmem>>) offsets(%dma_start3A_30 : memref<128xi32, #tpu.memory_space<vmem>>) semaphore(%arg13 : memref<!tpu.dma_semaphore, #tpu.memory_space<semaphore_mem>>)
    %dma_start3A_34 = arith.constant 0 : i32
    %dma_start3A_35 = arith.constant 1 : i32
    %dma_start3A_36 = arith.constant 0 : i32
    %dma_start3A_37 = tpu.memref_slice %arg7[%dma_start3A_34, %dma_start3A_35, %dma_start3A_36] : memref<2x3x128xi32, #tpu.memory_space<vmem>> -> memref<1x1x128xi32, #tpu.memory_space<vmem>>
    %dma_start3A_38 = tpu.memref_squeeze %dma_start3A_37 : memref<1x1x128xi32, #tpu.memory_space<vmem>> -> memref<128xi32, #tpu.memory_space<vmem>>
    %dma_start3A_39 = arith.constant 0 : i32
    %dma_start3A_40 = arith.constant 0 : i32
    %dma_start3A_41 = tpu.memref_slice %arg2[%dma_start3A_39, %dma_start3A_40] : memref<10128x128xf32, #tpu.memory_space<hbm>> -> memref<10128x128xf32, #tpu.memory_space<hbm>>
    tpu.enqueue_indirect_dma source(%dma_start3A_41 : memref<10128x128xf32, #tpu.memory_space<hbm>>) target(%arg10 : memref<128x128xf32, #tpu.memory_space<vmem>>) offsets(%dma_start3A_38 : memref<128xi32, #tpu.memory_space<vmem>>) semaphore(%arg14 : memref<!tpu.dma_semaphore, #tpu.memory_space<semaphore_mem>>)
    %dma_start3A_42 = arith.constant 0 : i32
    %dma_start3A_43 = arith.constant 2 : i32
    %dma_start3A_44 = arith.constant 0 : i32
    %dma_start3A_45 = tpu.memref_slice %arg7[%dma_start3A_42, %dma_start3A_43, %dma_start3A_44] : memref<2x3x128xi32, #tpu.memory_space<vmem>> -> memref<1x1x128xi32, #tpu.memory_space<vmem>>
    %dma_start3A_46 = tpu.memref_squeeze %dma_start3A_45 : memref<1x1x128xi32, #tpu.memory_space<vmem>> -> memref<128xi32, #tpu.memory_space<vmem>>
    %dma_start3A_47 = arith.constant 0 : i32
    %dma_start3A_48 = arith.constant 0 : i32
    %dma_start3A_49 = tpu.memref_slice %arg2[%dma_start3A_47, %dma_start3A_48] : memref<10128x128xf32, #tpu.memory_space<hbm>> -> memref<10128x128xf32, #tpu.memory_space<hbm>>
    tpu.enqueue_indirect_dma source(%dma_start3A_49 : memref<10128x128xf32, #tpu.memory_space<hbm>>) target(%arg11 : memref<128x128xf32, #tpu.memory_space<vmem>>) offsets(%dma_start3A_46 : memref<128xi32, #tpu.memory_space<vmem>>) semaphore(%arg15 : memref<!tpu.dma_semaphore, #tpu.memory_space<semaphore_mem>>)
    %scan3A = arith.constant 0 : i32
    %scan3A_50 = arith.constant 0 : i32
    %scan3A_51 = arith.constant 27 : i32
    %scan3A_52 = arith.addi %scan3A_50, %scan3A_51 : i32
    %scan3A_53 = arith.constant 1 : i32
    %scan3A_54 = scf.for %scan3A_87 = %scan3A_50 to %scan3A_52 step %scan3A_53 iter_args(%scan3A_88 = %scan3A) -> (i32)  : i32 {
      %rem3A = arith.constant 2 : i32
      %rem3A_89 = arith.remsi %scan3A_87, %rem3A : i32
      %add3A_90 = arith.constant 1 : i32
      %add3A_91 = arith.addi %scan3A_87, %add3A_90 : i32
      %rem3A_92 = arith.constant 2 : i32
      %rem3A_93 = arith.remsi %add3A_91, %rem3A_92 : i32
      %gt3A = arith.constant 0 : i32
      %gt3A_94 = arith.cmpi sgt, %scan3A_87, %gt3A : i32
      %convert_element_type3A_95 = arith.extui %gt3A_94 : i1 to i32
      %cond3A_96 = arith.constant 0 : i32
      %cond3A_97 = arith.cmpi ne, %convert_element_type3A_95, %cond3A_96 : i32
      scf.if %cond3A_97 {
        %dma_wait3A_148 = arith.constant 0 : i32
        %dma_wait3A_149 = arith.constant 0 : i32
        %dma_wait3A_150 = arith.constant 0 : i32
        %dma_wait3A_151 = tpu.memref_slice %arg4[%dma_wait3A_148, %add3A, %dma_wait3A_149, %dma_wait3A_150] : memref<27x32x3x128xi32, #tpu.memory_space<hbm>> -> memref<1x1x3x128xi32, #tpu.memory_space<hbm>>
        %dma_wait3A_152 = tpu.memref_squeeze %dma_wait3A_151 : memref<1x1x3x128xi32, #tpu.memory_space<hbm>> -> memref<3x128xi32, #tpu.memory_space<hbm>>
        %dma_wait3A_153 = arith.constant 0 : i32
        %dma_wait3A_154 = arith.constant 0 : i32
        %dma_wait3A_155 = tpu.memref_slice %arg4[%dma_wait3A_148, %add3A, %dma_wait3A_153, %dma_wait3A_154] : memref<27x32x3x128xi32, #tpu.memory_space<hbm>> -> memref<1x1x3x128xi32, #tpu.memory_space<hbm>>
        %dma_wait3A_156 = tpu.memref_squeeze %dma_wait3A_155 : memref<1x1x3x128xi32, #tpu.memory_space<hbm>> -> memref<3x128xi32, #tpu.memory_space<hbm>>
        tpu.wait_dma2 semaphore(%arg20 : memref<!tpu.dma_semaphore, #tpu.memory_space<semaphore_mem>>) src(%dma_wait3A_156 : memref<3x128xi32, #tpu.memory_space<hbm>>) dst(%arg8 : memref<3x128xi32, #tpu.memory_space<vmem>>)
      } else {
      }
      %dma_wait3A_98 = arith.constant 0 : i32
      %dma_wait3A_99 = arith.constant 0 : i32
      %dma_wait3A_100 = tpu.memref_slice %arg7[%rem3A_89, %dma_wait3A_98, %dma_wait3A_99] : memref<2x3x128xi32, #tpu.memory_space<vmem>> -> memref<1x1x128xi32, #tpu.memory_space<vmem>>
      %dma_wait3A_101 = tpu.memref_squeeze %dma_wait3A_100 : memref<1x1x128xi32, #tpu.memory_space<vmem>> -> memref<128xi32, #tpu.memory_space<vmem>>
      %dma_wait3A_102 = arith.constant 0 : i32
      %dma_wait3A_103 = arith.constant 0 : i32
      %dma_wait3A_104 = tpu.memref_slice %arg2[%dma_wait3A_102, %dma_wait3A_103] : memref<10128x128xf32, #tpu.memory_space<hbm>> -> memref<10128x128xf32, #tpu.memory_space<hbm>>
      tpu.wait_indirect_dma semaphore(%arg13 : memref<!tpu.dma_semaphore, #tpu.memory_space<semaphore_mem>>) src(%dma_wait3A_104 : memref<10128x128xf32, #tpu.memory_space<hbm>>) dst(%arg9 : memref<128x128xf32, #tpu.memory_space<vmem>>)
      %dma_start3A_105 = arith.constant 0 : i32
      %dma_start3A_106 = arith.constant 0 : i32
      %dma_start3A_107 = tpu.memref_slice %arg8[%dma_start3A_105, %dma_start3A_106] : memref<3x128xi32, #tpu.memory_space<vmem>> -> memref<1x128xi32, #tpu.memory_space<vmem>>
      %dma_start3A_108 = tpu.memref_squeeze %dma_start3A_107 : memref<1x128xi32, #tpu.memory_space<vmem>> -> memref<128xi32, #tpu.memory_space<vmem>>
      %dma_start3A_109 = arith.constant 0 : i32
      %dma_start3A_110 = arith.constant 0 : i32
      %dma_start3A_111 = tpu.memref_slice %arg12[%dma_start3A_109, %dma_start3A_110] : memref<10000x128xf32, #tpu.memory_space<vmem_shared>> -> memref<10000x128xf32, #tpu.memory_space<vmem_shared>>
      tpu.enqueue_indirect_dma source(%arg9 : memref<128x128xf32, #tpu.memory_space<vmem>>) target(%dma_start3A_111 : memref<10000x128xf32, #tpu.memory_space<vmem_shared>>) offsets(%dma_start3A_108 : memref<128xi32, #tpu.memory_space<vmem>>) semaphore(%arg16 : memref<!tpu.dma_semaphore, #tpu.memory_space<semaphore_mem>>) {add = true}
      %dma_wait3A_112 = arith.constant 1 : i32
      %dma_wait3A_113 = arith.constant 0 : i32
      %dma_wait3A_114 = tpu.memref_slice %arg7[%rem3A_89, %dma_wait3A_112, %dma_wait3A_113] : memref<2x3x128xi32, #tpu.memory_space<vmem>> -> memref<1x1x128xi32, #tpu.memory_space<vmem>>
      %dma_wait3A_115 = tpu.memref_squeeze %dma_wait3A_114 : memref<1x1x128xi32, #tpu.memory_space<vmem>> -> memref<128xi32, #tpu.memory_space<vmem>>
      %dma_wait3A_116 = arith.constant 0 : i32
      %dma_wait3A_117 = arith.constant 0 : i32
      %dma_wait3A_118 = tpu.memref_slice %arg2[%dma_wait3A_116, %dma_wait3A_117] : memref<10128x128xf32, #tpu.memory_space<hbm>> -> memref<10128x128xf32, #tpu.memory_space<hbm>>
      tpu.wait_indirect_dma semaphore(%arg14 : memref<!tpu.dma_semaphore, #tpu.memory_space<semaphore_mem>>) src(%dma_wait3A_118 : memref<10128x128xf32, #tpu.memory_space<hbm>>) dst(%arg10 : memref<128x128xf32, #tpu.memory_space<vmem>>)
      %dma_start3A_119 = arith.constant 1 : i32
      %dma_start3A_120 = arith.constant 0 : i32
      %dma_start3A_121 = tpu.memref_slice %arg8[%dma_start3A_119, %dma_start3A_120] : memref<3x128xi32, #tpu.memory_space<vmem>> -> memref<1x128xi32, #tpu.memory_space<vmem>>
      %dma_start3A_122 = tpu.memref_squeeze %dma_start3A_121 : memref<1x128xi32, #tpu.memory_space<vmem>> -> memref<128xi32, #tpu.memory_space<vmem>>
      %dma_start3A_123 = arith.constant 0 : i32
      %dma_start3A_124 = arith.constant 0 : i32
      %dma_start3A_125 = tpu.memref_slice %arg12[%dma_start3A_123, %dma_start3A_124] : memref<10000x128xf32, #tpu.memory_space<vmem_shared>> -> memref<10000x128xf32, #tpu.memory_space<vmem_shared>>
      tpu.enqueue_indirect_dma source(%arg10 : memref<128x128xf32, #tpu.memory_space<vmem>>) target(%dma_start3A_125 : memref<10000x128xf32, #tpu.memory_space<vmem_shared>>) offsets(%dma_start3A_122 : memref<128xi32, #tpu.memory_space<vmem>>) semaphore(%arg17 : memref<!tpu.dma_semaphore, #tpu.memory_space<semaphore_mem>>) {add = true}
      %dma_wait3A_126 = arith.constant 2 : i32
      %dma_wait3A_127 = arith.constant 0 : i32
      %dma_wait3A_128 = tpu.memref_slice %arg7[%rem3A_89, %dma_wait3A_126, %dma_wait3A_127] : memref<2x3x128xi32, #tpu.memory_space<vmem>> -> memref<1x1x128xi32, #tpu.memory_space<vmem>>
      %dma_wait3A_129 = tpu.memref_squeeze %dma_wait3A_128 : memref<1x1x128xi32, #tpu.memory_space<vmem>> -> memref<128xi32, #tpu.memory_space<vmem>>
      %dma_wait3A_130 = arith.constant 0 : i32
      %dma_wait3A_131 = arith.constant 0 : i32
      %dma_wait3A_132 = tpu.memref_slice %arg2[%dma_wait3A_130, %dma_wait3A_131] : memref<10128x128xf32, #tpu.memory_space<hbm>> -> memref<10128x128xf32, #tpu.memory_space<hbm>>
      tpu.wait_indirect_dma semaphore(%arg15 : memref<!tpu.dma_semaphore, #tpu.memory_space<semaphore_mem>>) src(%dma_wait3A_132 : memref<10128x128xf32, #tpu.memory_space<hbm>>) dst(%arg11 : memref<128x128xf32, #tpu.memory_space<vmem>>)
      %dma_start3A_133 = arith.constant 2 : i32
      %dma_start3A_134 = arith.constant 0 : i32
      %dma_start3A_135 = tpu.memref_slice %arg8[%dma_start3A_133, %dma_start3A_134] : memref<3x128xi32, #tpu.memory_space<vmem>> -> memref<1x128xi32, #tpu.memory_space<vmem>>
      %dma_start3A_136 = tpu.memref_squeeze %dma_start3A_135 : memref<1x128xi32, #tpu.memory_space<vmem>> -> memref<128xi32, #tpu.memory_space<vmem>>
      %dma_start3A_137 = arith.constant 0 : i32
      %dma_start3A_138 = arith.constant 0 : i32
      %dma_start3A_139 = tpu.memref_slice %arg12[%dma_start3A_137, %dma_start3A_138] : memref<10000x128xf32, #tpu.memory_space<vmem_shared>> -> memref<10000x128xf32, #tpu.memory_space<vmem_shared>>
      tpu.enqueue_indirect_dma source(%arg11 : memref<128x128xf32, #tpu.memory_space<vmem>>) target(%dma_start3A_139 : memref<10000x128xf32, #tpu.memory_space<vmem_shared>>) offsets(%dma_start3A_136 : memref<128xi32, #tpu.memory_space<vmem>>) semaphore(%arg18 : memref<!tpu.dma_semaphore, #tpu.memory_space<semaphore_mem>>) {add = true}
      %add3A_140 = arith.constant 1 : i32
      %add3A_141 = arith.addi %scan3A_87, %add3A_140 : i32
      %lt3A_142 = arith.constant 27 : i32
      %lt3A_143 = arith.cmpi slt, %add3A_141, %lt3A_142 : i32
      %convert_element_type3A_144 = arith.extui %lt3A_143 : i1 to i32
      %cond3A_145 = arith.constant 0 : i32
      %cond3A_146 = arith.cmpi ne, %convert_element_type3A_144, %cond3A_145 : i32
      scf.if %cond3A_146 {
        %dma_wait3A_148 = arith.constant 0 : i32
        %dma_wait3A_149 = arith.constant 0 : i32
        %dma_wait3A_150 = arith.constant 0 : i32
        %dma_wait3A_151 = arith.constant 0 : i32
        %dma_wait3A_152 = tpu.memref_slice %arg7[%dma_wait3A_149, %dma_wait3A_150, %dma_wait3A_151] : memref<2x3x128xi32, #tpu.memory_space<vmem>> -> memref<1x3x128xi32, #tpu.memory_space<vmem>>
        %dma_wait3A_153 = tpu.memref_squeeze %dma_wait3A_152 : memref<1x3x128xi32, #tpu.memory_space<vmem>> -> memref<3x128xi32, #tpu.memory_space<vmem>>
        %dma_wait3A_154 = arith.constant 0 : i32
        %dma_wait3A_155 = arith.constant 0 : i32
        %dma_wait3A_156 = tpu.memref_slice %arg3[%dma_wait3A_148, %add3A, %dma_wait3A_154, %dma_wait3A_155] : memref<27x32x3x128xi32, #tpu.memory_space<hbm>> -> memref<1x1x3x128xi32, #tpu.memory_space<hbm>>
        %dma_wait3A_157 = tpu.memref_squeeze %dma_wait3A_156 : memref<1x1x3x128xi32, #tpu.memory_space<hbm>> -> memref<3x128xi32, #tpu.memory_space<hbm>>
        %dma_wait3A_158 = arith.constant 0 : i32
        %dma_wait3A_159 = arith.constant 0 : i32
        %dma_wait3A_160 = tpu.memref_slice %arg7[%dma_wait3A_149, %dma_wait3A_158, %dma_wait3A_159] : memref<2x3x128xi32, #tpu.memory_space<vmem>> -> memref<1x3x128xi32, #tpu.memory_space<vmem>>
        %dma_wait3A_161 = tpu.memref_squeeze %dma_wait3A_160 : memref<1x3x128xi32, #tpu.memory_space<vmem>> -> memref<3x128xi32, #tpu.memory_space<vmem>>
        %dma_wait3A_162 = arith.constant 0 : i32
        %dma_wait3A_163 = arith.constant 0 : i32
        %dma_wait3A_164 = tpu.memref_slice %arg3[%dma_wait3A_148, %add3A, %dma_wait3A_162, %dma_wait3A_163] : memref<27x32x3x128xi32, #tpu.memory_space<hbm>> -> memref<1x1x3x128xi32, #tpu.memory_space<hbm>>
        %dma_wait3A_165 = tpu.memref_squeeze %dma_wait3A_164 : memref<1x1x3x128xi32, #tpu.memory_space<hbm>> -> memref<3x128xi32, #tpu.memory_space<hbm>>
        tpu.wait_dma2 semaphore(%arg19 : memref<!tpu.dma_semaphore, #tpu.memory_space<semaphore_mem>>) src(%dma_wait3A_165 : memref<3x128xi32, #tpu.memory_space<hbm>>) dst(%dma_wait3A_161 : memref<3x128xi32, #tpu.memory_space<vmem>>)
        %dma_wait3A_166 = arith.constant 0 : i32
        %dma_wait3A_167 = arith.constant 0 : i32
        %dma_wait3A_168 = tpu.memref_slice %arg8[%dma_wait3A_166, %dma_wait3A_167] : memref<3x128xi32, #tpu.memory_space<vmem>> -> memref<1x128xi32, #tpu.memory_space<vmem>>
        %dma_wait3A_169 = tpu.memref_squeeze %dma_wait3A_168 : memref<1x128xi32, #tpu.memory_space<vmem>> -> memref<128xi32, #tpu.memory_space<vmem>>
        %dma_wait3A_170 = arith.constant 0 : i32
        %dma_wait3A_171 = arith.constant 0 : i32
        %dma_wait3A_172 = tpu.memref_slice %arg12[%dma_wait3A_170, %dma_wait3A_171] : memref<10000x128xf32, #tpu.memory_space<vmem_shared>> -> memref<10000x128xf32, #tpu.memory_space<vmem_shared>>
        tpu.wait_indirect_dma semaphore(%arg16 : memref<!tpu.dma_semaphore, #tpu.memory_space<semaphore_mem>>) src(%arg9 : memref<128x128xf32, #tpu.memory_space<vmem>>) dst(%dma_wait3A_172 : memref<10000x128xf32, #tpu.memory_space<vmem_shared>>)
        %dma_start3A_173 = arith.constant 0 : i32
        %dma_start3A_174 = arith.constant 0 : i32
        %dma_start3A_175 = tpu.memref_slice %arg7[%rem3A_93, %dma_start3A_173, %dma_start3A_174] : memref<2x3x128xi32, #tpu.memory_space<vmem>> -> memref<1x1x128xi32, #tpu.memory_space<vmem>>
        %dma_start3A_176 = tpu.memref_squeeze %dma_start3A_175 : memref<1x1x128xi32, #tpu.memory_space<vmem>> -> memref<128xi32, #tpu.memory_space<vmem>>
        %dma_start3A_177 = arith.constant 0 : i32
        %dma_start3A_178 = arith.constant 0 : i32
        %dma_start3A_179 = tpu.memref_slice %arg2[%dma_start3A_177, %dma_start3A_178] : memref<10128x128xf32, #tpu.memory_space<hbm>> -> memref<10128x128xf32, #tpu.memory_space<hbm>>
        tpu.enqueue_indirect_dma source(%dma_start3A_179 : memref<10128x128xf32, #tpu.memory_space<hbm>>) target(%arg9 : memref<128x128xf32, #tpu.memory_space<vmem>>) offsets(%dma_start3A_176 : memref<128xi32, #tpu.memory_space<vmem>>) semaphore(%arg13 : memref<!tpu.dma_semaphore, #tpu.memory_space<semaphore_mem>>)
        %dma_wait3A_180 = arith.constant 1 : i32
        %dma_wait3A_181 = arith.constant 0 : i32
        %dma_wait3A_182 = tpu.memref_slice %arg8[%dma_wait3A_180, %dma_wait3A_181] : memref<3x128xi32, #tpu.memory_space<vmem>> -> memref<1x128xi32, #tpu.memory_space<vmem>>
        %dma_wait3A_183 = tpu.memref_squeeze %dma_wait3A_182 : memref<1x128xi32, #tpu.memory_space<vmem>> -> memref<128xi32, #tpu.memory_space<vmem>>
        %dma_wait3A_184 = arith.constant 0 : i32
        %dma_wait3A_185 = arith.constant 0 : i32
        %dma_wait3A_186 = tpu.memref_slice %arg12[%dma_wait3A_184, %dma_wait3A_185] : memref<10000x128xf32, #tpu.memory_space<vmem_shared>> -> memref<10000x128xf32, #tpu.memory_space<vmem_shared>>
        tpu.wait_indirect_dma semaphore(%arg17 : memref<!tpu.dma_semaphore, #tpu.memory_space<semaphore_mem>>) src(%arg10 : memref<128x128xf32, #tpu.memory_space<vmem>>) dst(%dma_wait3A_186 : memref<10000x128xf32, #tpu.memory_space<vmem_shared>>)
        %dma_start3A_187 = arith.constant 1 : i32
        %dma_start3A_188 = arith.constant 0 : i32
        %dma_start3A_189 = tpu.memref_slice %arg7[%rem3A_93, %dma_start3A_187, %dma_start3A_188] : memref<2x3x128xi32, #tpu.memory_space<vmem>> -> memref<1x1x128xi32, #tpu.memory_space<vmem>>
        %dma_start3A_190 = tpu.memref_squeeze %dma_start3A_189 : memref<1x1x128xi32, #tpu.memory_space<vmem>> -> memref<128xi32, #tpu.memory_space<vmem>>
        %dma_start3A_191 = arith.constant 0 : i32
        %dma_start3A_192 = arith.constant 0 : i32
        %dma_start3A_193 = tpu.memref_slice %arg2[%dma_start3A_191, %dma_start3A_192] : memref<10128x128xf32, #tpu.memory_space<hbm>> -> memref<10128x128xf32, #tpu.memory_space<hbm>>
        tpu.enqueue_indirect_dma source(%dma_start3A_193 : memref<10128x128xf32, #tpu.memory_space<hbm>>) target(%arg10 : memref<128x128xf32, #tpu.memory_space<vmem>>) offsets(%dma_start3A_190 : memref<128xi32, #tpu.memory_space<vmem>>) semaphore(%arg14 : memref<!tpu.dma_semaphore, #tpu.memory_space<semaphore_mem>>)
        %dma_wait3A_194 = arith.constant 2 : i32
        %dma_wait3A_195 = arith.constant 0 : i32
        %dma_wait3A_196 = tpu.memref_slice %arg8[%dma_wait3A_194, %dma_wait3A_195] : memref<3x128xi32, #tpu.memory_space<vmem>> -> memref<1x128xi32, #tpu.memory_space<vmem>>
        %dma_wait3A_197 = tpu.memref_squeeze %dma_wait3A_196 : memref<1x128xi32, #tpu.memory_space<vmem>> -> memref<128xi32, #tpu.memory_space<vmem>>
        %dma_wait3A_198 = arith.constant 0 : i32
        %dma_wait3A_199 = arith.constant 0 : i32
        %dma_wait3A_200 = tpu.memref_slice %arg12[%dma_wait3A_198, %dma_wait3A_199] : memref<10000x128xf32, #tpu.memory_space<vmem_shared>> -> memref<10000x128xf32, #tpu.memory_space<vmem_shared>>
        tpu.wait_indirect_dma semaphore(%arg18 : memref<!tpu.dma_semaphore, #tpu.memory_space<semaphore_mem>>) src(%arg11 : memref<128x128xf32, #tpu.memory_space<vmem>>) dst(%dma_wait3A_200 : memref<10000x128xf32, #tpu.memory_space<vmem_shared>>)
        %dma_start3A_201 = arith.constant 2 : i32
        %dma_start3A_202 = arith.constant 0 : i32
        %dma_start3A_203 = tpu.memref_slice %arg7[%rem3A_93, %dma_start3A_201, %dma_start3A_202] : memref<2x3x128xi32, #tpu.memory_space<vmem>> -> memref<1x1x128xi32, #tpu.memory_space<vmem>>
        %dma_start3A_204 = tpu.memref_squeeze %dma_start3A_203 : memref<1x1x128xi32, #tpu.memory_space<vmem>> -> memref<128xi32, #tpu.memory_space<vmem>>
        %dma_start3A_205 = arith.constant 0 : i32
        %dma_start3A_206 = arith.constant 0 : i32
        %dma_start3A_207 = tpu.memref_slice %arg2[%dma_start3A_205, %dma_start3A_206] : memref<10128x128xf32, #tpu.memory_space<hbm>> -> memref<10128x128xf32, #tpu.memory_space<hbm>>
        tpu.enqueue_indirect_dma source(%dma_start3A_207 : memref<10128x128xf32, #tpu.memory_space<hbm>>) target(%arg11 : memref<128x128xf32, #tpu.memory_space<vmem>>) offsets(%dma_start3A_204 : memref<128xi32, #tpu.memory_space<vmem>>) semaphore(%arg15 : memref<!tpu.dma_semaphore, #tpu.memory_space<semaphore_mem>>)
        %add3A_208 = arith.constant 1 : i32
        %add3A_209 = arith.addi %scan3A_87, %add3A_208 : i32
        %dma_start3A_210 = arith.constant 0 : i32
        %dma_start3A_211 = arith.constant 0 : i32
        %dma_start3A_212 = tpu.memref_slice %arg4[%add3A_209, %add3A, %dma_start3A_210, %dma_start3A_211] : memref<27x32x3x128xi32, #tpu.memory_space<hbm>> -> memref<1x1x3x128xi32, #tpu.memory_space<hbm>>
        %dma_start3A_213 = tpu.memref_squeeze %dma_start3A_212 : memref<1x1x3x128xi32, #tpu.memory_space<hbm>> -> memref<3x128xi32, #tpu.memory_space<hbm>>
        %dma_start3A_214 = arith.constant 0 : i32
        %dma_start3A_215 = arith.constant 0 : i32
        %dma_start3A_216 = tpu.memref_slice %arg4[%add3A_209, %add3A, %dma_start3A_214, %dma_start3A_215] : memref<27x32x3x128xi32, #tpu.memory_space<hbm>> -> memref<1x1x3x128xi32, #tpu.memory_space<hbm>>
        %dma_start3A_217 = tpu.memref_squeeze %dma_start3A_216 : memref<1x1x3x128xi32, #tpu.memory_space<hbm>> -> memref<3x128xi32, #tpu.memory_space<hbm>>
        tpu.enqueue_dma source(%dma_start3A_217 : memref<3x128xi32, #tpu.memory_space<hbm>>) target(%arg8 : memref<3x128xi32, #tpu.memory_space<vmem>>) target_semaphore(%arg20 : memref<!tpu.dma_semaphore, #tpu.memory_space<semaphore_mem>>)
        %add3A_218 = arith.constant 2 : i32
        %add3A_219 = arith.addi %scan3A_87, %add3A_218 : i32
        %lt3A_220 = arith.constant 27 : i32
        %lt3A_221 = arith.cmpi slt, %add3A_219, %lt3A_220 : i32
        %convert_element_type3A_222 = arith.extui %lt3A_221 : i1 to i32
        %cond3A_223 = arith.constant 0 : i32
        %cond3A_224 = arith.cmpi ne, %convert_element_type3A_222, %cond3A_223 : i32
        scf.if %cond3A_224 {
          %add3A_225 = arith.constant 2 : i32
          %add3A_226 = arith.addi %scan3A_87, %add3A_225 : i32
          %dma_start3A_227 = arith.constant 0 : i32
          %dma_start3A_228 = arith.constant 0 : i32
          %dma_start3A_229 = tpu.memref_slice %arg7[%rem3A_89, %dma_start3A_227, %dma_start3A_228] : memref<2x3x128xi32, #tpu.memory_space<vmem>> -> memref<1x3x128xi32, #tpu.memory_space<vmem>>
          %dma_start3A_230 = tpu.memref_squeeze %dma_start3A_229 : memref<1x3x128xi32, #tpu.memory_space<vmem>> -> memref<3x128xi32, #tpu.memory_space<vmem>>
          %dma_start3A_231 = arith.constant 0 : i32
          %dma_start3A_232 = arith.constant 0 : i32
          %dma_start3A_233 = tpu.memref_slice %arg3[%add3A_226, %add3A, %dma_start3A_231, %dma_start3A_232] : memref<27x32x3x128xi32, #tpu.memory_space<hbm>> -> memref<1x1x3x128xi32, #tpu.memory_space<hbm>>
          %dma_start3A_234 = tpu.memref_squeeze %dma_start3A_233 : memref<1x1x3x128xi32, #tpu.memory_space<hbm>> -> memref<3x128xi32, #tpu.memory_space<hbm>>
          %dma_start3A_235 = arith.constant 0 : i32
          %dma_start3A_236 = arith.constant 0 : i32
          %dma_start3A_237 = tpu.memref_slice %arg7[%rem3A_89, %dma_start3A_235, %dma_start3A_236] : memref<2x3x128xi32, #tpu.memory_space<vmem>> -> memref<1x3x128xi32, #tpu.memory_space<vmem>>
          %dma_start3A_238 = tpu.memref_squeeze %dma_start3A_237 : memref<1x3x128xi32, #tpu.memory_space<vmem>> -> memref<3x128xi32, #tpu.memory_space<vmem>>
          %dma_start3A_239 = arith.constant 0 : i32
          %dma_start3A_240 = arith.constant 0 : i32
          %dma_start3A_241 = tpu.memref_slice %arg3[%add3A_226, %add3A, %dma_start3A_239, %dma_start3A_240] : memref<27x32x3x128xi32, #tpu.memory_space<hbm>> -> memref<1x1x3x128xi32, #tpu.memory_space<hbm>>
          %dma_start3A_242 = tpu.memref_squeeze %dma_start3A_241 : memref<1x1x3x128xi32, #tpu.memory_space<hbm>> -> memref<3x128xi32, #tpu.memory_space<hbm>>
          tpu.enqueue_dma source(%dma_start3A_242 : memref<3x128xi32, #tpu.memory_space<hbm>>) target(%dma_start3A_238 : memref<3x128xi32, #tpu.memory_space<vmem>>) target_semaphore(%arg19 : memref<!tpu.dma_semaphore, #tpu.memory_space<semaphore_mem>>)
        } else {
        }
      } else {
      }
      %scan3A_147 = arith.constant 0 : i32
      scf.yield %scan3A_147 : i32
    }
    %scan3A_55 = arith.constant 27 : i32
    %dma_wait3A = arith.constant 0 : i32
    %dma_wait3A_56 = arith.constant 0 : i32
    %dma_wait3A_57 = tpu.memref_slice %arg8[%dma_wait3A, %dma_wait3A_56] : memref<3x128xi32, #tpu.memory_space<vmem>> -> memref<1x128xi32, #tpu.memory_space<vmem>>
    %dma_wait3A_58 = tpu.memref_squeeze %dma_wait3A_57 : memref<1x128xi32, #tpu.memory_space<vmem>> -> memref<128xi32, #tpu.memory_space<vmem>>
    %dma_wait3A_59 = arith.constant 0 : i32
    %dma_wait3A_60 = arith.constant 0 : i32
    %dma_wait3A_61 = tpu.memref_slice %arg12[%dma_wait3A_59, %dma_wait3A_60] : memref<10000x128xf32, #tpu.memory_space<vmem_shared>> -> memref<10000x128xf32, #tpu.memory_space<vmem_shared>>
    tpu.wait_indirect_dma semaphore(%arg16 : memref<!tpu.dma_semaphore, #tpu.memory_space<semaphore_mem>>) src(%arg9 : memref<128x128xf32, #tpu.memory_space<vmem>>) dst(%dma_wait3A_61 : memref<10000x128xf32, #tpu.memory_space<vmem_shared>>)
    %dma_wait3A_62 = arith.constant 1 : i32
    %dma_wait3A_63 = arith.constant 0 : i32
    %dma_wait3A_64 = tpu.memref_slice %arg8[%dma_wait3A_62, %dma_wait3A_63] : memref<3x128xi32, #tpu.memory_space<vmem>> -> memref<1x128xi32, #tpu.memory_space<vmem>>
    %dma_wait3A_65 = tpu.memref_squeeze %dma_wait3A_64 : memref<1x128xi32, #tpu.memory_space<vmem>> -> memref<128xi32, #tpu.memory_space<vmem>>
    %dma_wait3A_66 = arith.constant 0 : i32
    %dma_wait3A_67 = arith.constant 0 : i32
    %dma_wait3A_68 = tpu.memref_slice %arg12[%dma_wait3A_66, %dma_wait3A_67] : memref<10000x128xf32, #tpu.memory_space<vmem_shared>> -> memref<10000x128xf32, #tpu.memory_space<vmem_shared>>
    tpu.wait_indirect_dma semaphore(%arg17 : memref<!tpu.dma_semaphore, #tpu.memory_space<semaphore_mem>>) src(%arg10 : memref<128x128xf32, #tpu.memory_space<vmem>>) dst(%dma_wait3A_68 : memref<10000x128xf32, #tpu.memory_space<vmem_shared>>)
    %dma_wait3A_69 = arith.constant 2 : i32
    %dma_wait3A_70 = arith.constant 0 : i32
    %dma_wait3A_71 = tpu.memref_slice %arg8[%dma_wait3A_69, %dma_wait3A_70] : memref<3x128xi32, #tpu.memory_space<vmem>> -> memref<1x128xi32, #tpu.memory_space<vmem>>
    %dma_wait3A_72 = tpu.memref_squeeze %dma_wait3A_71 : memref<1x128xi32, #tpu.memory_space<vmem>> -> memref<128xi32, #tpu.memory_space<vmem>>
    %dma_wait3A_73 = arith.constant 0 : i32
    %dma_wait3A_74 = arith.constant 0 : i32
    %dma_wait3A_75 = tpu.memref_slice %arg12[%dma_wait3A_73, %dma_wait3A_74] : memref<10000x128xf32, #tpu.memory_space<vmem_shared>> -> memref<10000x128xf32, #tpu.memory_space<vmem_shared>>
    tpu.wait_indirect_dma semaphore(%arg18 : memref<!tpu.dma_semaphore, #tpu.memory_space<semaphore_mem>>) src(%arg11 : memref<128x128xf32, #tpu.memory_space<vmem>>) dst(%dma_wait3A_75 : memref<10000x128xf32, #tpu.memory_space<vmem_shared>>)
    %barrier3A_76 = arith.constant 0 : index
    tpu.barrier barrier_id(%barrier3A_76)
    %lt3A_77 = arith.constant 15 : i32
    %lt3A_78 = arith.cmpi slt, %arg1, %lt3A_77 : i32
    %convert_element_type3A_79 = arith.extui %lt3A_78 : i1 to i32
    %cond3A_80 = arith.constant 0 : i32
    %cond3A_81 = arith.cmpi ne, %convert_element_type3A_79, %cond3A_80 : i32
    scf.if %cond3A_81 {
      %mul3A_87 = arith.constant 632 : i32
      %mul3A_88 = arith.muli %arg1, %mul3A_87 : i32
      %mul3A_89 = arith.constant 632 : i32
      %mul3A_90 = arith.muli %arg1, %mul3A_89 : i32
      "tpu.region"() ({
        %run_scoped3A_91 = tpu.sem_alloc : memref<!tpu.dma_semaphore, #tpu.memory_space<semaphore_mem>>
        %dma_start3A_92 = arith.constant 0 : i32
        %dma_start3A_93 = tpu.memref_slice %arg6[%arg0, %mul3A_90, %dma_start3A_92] : memref<2x10000x128xf32, #tpu.memory_space<hbm>> -> memref<1x632x128xf32, #tpu.memory_space<hbm>>
        %dma_start3A_94 = tpu.memref_squeeze %dma_start3A_93 : memref<1x632x128xf32, #tpu.memory_space<hbm>> -> memref<632x128xf32, #tpu.memory_space<hbm>>
        %dma_start3A_95 = arith.constant 0 : i32
        %dma_start3A_96 = tpu.memref_slice %arg12[%mul3A_88, %dma_start3A_95] : memref<10000x128xf32, #tpu.memory_space<vmem_shared>> -> memref<632x128xf32, #tpu.memory_space<vmem_shared>>
        tpu.enqueue_dma source(%dma_start3A_96 : memref<632x128xf32, #tpu.memory_space<vmem_shared>>) target(%dma_start3A_94 : memref<632x128xf32, #tpu.memory_space<hbm>>) target_semaphore(%run_scoped3A_91 : memref<!tpu.dma_semaphore, #tpu.memory_space<semaphore_mem>>)
        %dma_wait3A_97 = arith.constant 0 : i32
        %dma_wait3A_98 = tpu.memref_slice %arg6[%arg0, %mul3A_90, %dma_wait3A_97] : memref<2x10000x128xf32, #tpu.memory_space<hbm>> -> memref<1x632x128xf32, #tpu.memory_space<hbm>>
        %dma_wait3A_99 = tpu.memref_squeeze %dma_wait3A_98 : memref<1x632x128xf32, #tpu.memory_space<hbm>> -> memref<632x128xf32, #tpu.memory_space<hbm>>
        %dma_wait3A_100 = arith.constant 0 : i32
        %dma_wait3A_101 = tpu.memref_slice %arg12[%mul3A_88, %dma_wait3A_100] : memref<10000x128xf32, #tpu.memory_space<vmem_shared>> -> memref<632x128xf32, #tpu.memory_space<vmem_shared>>
        tpu.wait_dma2 semaphore(%run_scoped3A_91 : memref<!tpu.dma_semaphore, #tpu.memory_space<semaphore_mem>>) src(%dma_wait3A_101 : memref<632x128xf32, #tpu.memory_space<vmem_shared>>) dst(%dma_wait3A_99 : memref<632x128xf32, #tpu.memory_space<hbm>>)
        tpu.yield
      }) : () -> ()
    } else {
    }
    %eq3A_82 = arith.constant 15 : i32
    %eq3A_83 = arith.cmpi eq, %arg1, %eq3A_82 : i32
    %convert_element_type3A_84 = arith.extui %eq3A_83 : i1 to i32
    %cond3A_85 = arith.constant 0 : i32
    %cond3A_86 = arith.cmpi ne, %convert_element_type3A_84, %cond3A_85 : i32
    scf.if %cond3A_86 {
      "tpu.region"() ({
        %run_scoped3A_87 = tpu.sem_alloc : memref<!tpu.dma_semaphore, #tpu.memory_space<semaphore_mem>>
        %dma_start3A_88 = arith.constant 9480 : i32
        %dma_start3A_89 = arith.constant 0 : i32
        %dma_start3A_90 = tpu.memref_slice %arg6[%arg0, %dma_start3A_88, %dma_start3A_89] : memref<2x10000x128xf32, #tpu.memory_space<hbm>> -> memref<1x520x128xf32, #tpu.memory_space<hbm>>
        %dma_start3A_91 = tpu.memref_squeeze %dma_start3A_90 : memref<1x520x128xf32, #tpu.memory_space<hbm>> -> memref<520x128xf32, #tpu.memory_space<hbm>>
        %dma_start3A_92 = arith.constant 9480 : i32
        %dma_start3A_93 = arith.constant 0 : i32
        %dma_start3A_94 = tpu.memref_slice %arg12[%dma_start3A_92, %dma_start3A_93] : memref<10000x128xf32, #tpu.memory_space<vmem_shared>> -> memref<520x128xf32, #tpu.memory_space<vmem_shared>>
        tpu.enqueue_dma source(%dma_start3A_94 : memref<520x128xf32, #tpu.memory_space<vmem_shared>>) target(%dma_start3A_91 : memref<520x128xf32, #tpu.memory_space<hbm>>) target_semaphore(%run_scoped3A_87 : memref<!tpu.dma_semaphore, #tpu.memory_space<semaphore_mem>>)
        %dma_wait3A_95 = arith.constant 9480 : i32
        %dma_wait3A_96 = arith.constant 0 : i32
        %dma_wait3A_97 = tpu.memref_slice %arg6[%arg0, %dma_wait3A_95, %dma_wait3A_96] : memref<2x10000x128xf32, #tpu.memory_space<hbm>> -> memref<1x520x128xf32, #tpu.memory_space<hbm>>
        %dma_wait3A_98 = tpu.memref_squeeze %dma_wait3A_97 : memref<1x520x128xf32, #tpu.memory_space<hbm>> -> memref<520x128xf32, #tpu.memory_space<hbm>>
        %dma_wait3A_99 = arith.constant 9480 : i32
        %dma_wait3A_100 = arith.constant 0 : i32
        %dma_wait3A_101 = tpu.memref_slice %arg12[%dma_wait3A_99, %dma_wait3A_100] : memref<10000x128xf32, #tpu.memory_space<vmem_shared>> -> memref<520x128xf32, #tpu.memory_space<vmem_shared>>
        tpu.wait_dma2 semaphore(%run_scoped3A_87 : memref<!tpu.dma_semaphore, #tpu.memory_space<semaphore_mem>>) src(%dma_wait3A_101 : memref<520x128xf32, #tpu.memory_space<vmem_shared>>) dst(%dma_wait3A_98 : memref<520x128xf32, #tpu.memory_space<hbm>>)
        tpu.yield
      }) : () -> ()
    } else {
    }
    return
  }
}

module attributes {stable_mosaic.version = 14 : i64} {
  func.func @_tc2_body(%arg0: memref<10000x1xf32, #tpu.memory_space<vmem>>, %arg1: memref<10000x1xf32, #tpu.memory_space<vmem>>, %arg2: memref<10000x128xf32, #tpu.memory_space<vmem>>, %arg3: memref<128x128xf32, #tpu.memory_space<vmem>>, %arg4: memref<1x128xf32, #tpu.memory_space<vmem>>, %arg5: memref<128x128xf32, #tpu.memory_space<vmem>>, %arg6: memref<1x128xf32, #tpu.memory_space<vmem>>, %arg7: memref<128x128xf32, #tpu.memory_space<vmem>>, %arg8: memref<10128x128xf32, #tpu.memory_space<vmem>>, %arg9: memref<10000x1xf32, #tpu.memory_space<vmem>>) attributes {dimension_semantics = [], scalar_prefetch = 0 : i64, scratch_operands = 0 : i64, tpu.core_type = #tpu.core_type<tc>} {
    %get3A = arith.constant 0 : index
    %get3A_0 = arith.constant 0 : index
    %get3A_1 = vector.load %arg2[%get3A, %get3A_0] : memref<10000x128xf32, #tpu.memory_space<vmem>>, vector<10000x128xf32>
    %get3A_2 = arith.constant 0 : index
    %get3A_3 = arith.constant 0 : index
    %get3A_4 = vector.load %arg3[%get3A_2, %get3A_3] : memref<128x128xf32, #tpu.memory_space<vmem>>, vector<128x128xf32>
    %dot_general3A = arith.constant dense<0.000000e+00> : vector<10000x128xf32>
    %dot_general3A_5 = tpu.matmul %get3A_1, %get3A_4, %dot_general3A {dimension_numbers = #tpu.dot_dimension_numbers<[1], [0], [0], [1], [0, 0, 1, 1], [], []>, transpose_lhs_hint = false} : vector<10000x128xf32>, vector<128x128xf32>, vector<10000x128xf32> -> vector<10000x128xf32>
    %get3A_6 = arith.constant 0 : index
    %get3A_7 = arith.constant 0 : index
    %get3A_8 = vector.load %arg4[%get3A_6, %get3A_7] : memref<1x128xf32, #tpu.memory_space<vmem>>, vector<1x128xf32>
    %add3A = vector.broadcast %get3A_8 : vector<1x128xf32> to vector<10000x128xf32>
    %add3A_9 = arith.addf %dot_general3A_5, %add3A : vector<10000x128xf32>
    %ge3A = arith.constant 0.000000e+00 : f32
    %ge3A_10 = vector.broadcast %ge3A : f32 to vector<10000x128xf32>
    %ge3A_11 = arith.cmpf oge, %add3A_9, %ge3A_10 : vector<10000x128xf32>
    %mul3A = arith.constant 0.00999999977 : f32
    %mul3A_12 = vector.broadcast %mul3A : f32 to vector<10000x128xf32>
    %mul3A_13 = arith.mulf %mul3A_12, %add3A_9 : vector<10000x128xf32>
    %select_n3A = arith.select %ge3A_11, %add3A_9, %mul3A_13 : vector<10000x128xi1>, vector<10000x128xf32>
    %get3A_14 = arith.constant 0 : index
    %get3A_15 = arith.constant 0 : index
    %get3A_16 = vector.load %arg5[%get3A_14, %get3A_15] : memref<128x128xf32, #tpu.memory_space<vmem>>, vector<128x128xf32>
    %dot_general3A_17 = arith.constant dense<0.000000e+00> : vector<10000x128xf32>
    %dot_general3A_18 = tpu.matmul %select_n3A, %get3A_16, %dot_general3A_17 {dimension_numbers = #tpu.dot_dimension_numbers<[1], [0], [0], [1], [0, 0, 1, 1], [], []>, transpose_lhs_hint = false} : vector<10000x128xf32>, vector<128x128xf32>, vector<10000x128xf32> -> vector<10000x128xf32>
    %get3A_19 = arith.constant 0 : index
    %get3A_20 = arith.constant 0 : index
    %get3A_21 = vector.load %arg6[%get3A_19, %get3A_20] : memref<1x128xf32, #tpu.memory_space<vmem>>, vector<1x128xf32>
    %add3A_22 = vector.broadcast %get3A_21 : vector<1x128xf32> to vector<10000x128xf32>
    %add3A_23 = arith.addf %dot_general3A_18, %add3A_22 : vector<10000x128xf32>
    %ge3A_24 = arith.constant 0.000000e+00 : f32
    %ge3A_25 = vector.broadcast %ge3A_24 : f32 to vector<10000x128xf32>
    %ge3A_26 = arith.cmpf oge, %add3A_23, %ge3A_25 : vector<10000x128xf32>
    %mul3A_27 = arith.constant 0.00999999977 : f32
    %mul3A_28 = vector.broadcast %mul3A_27 : f32 to vector<10000x128xf32>
    %mul3A_29 = arith.mulf %mul3A_28, %add3A_23 : vector<10000x128xf32>
    %select_n3A_30 = arith.select %ge3A_26, %add3A_23, %mul3A_29 : vector<10000x128xi1>, vector<10000x128xf32>
    %get3A_31 = arith.constant 0 : index
    %get3A_32 = arith.constant 0 : index
    %get3A_33 = vector.load %arg0[%get3A_31, %get3A_32] : memref<10000x1xf32, #tpu.memory_space<vmem>>, vector<10000x1xf32>
    %get3A_34 = arith.constant 0 : index
    %get3A_35 = arith.constant 0 : index
    %get3A_36 = vector.load %arg1[%get3A_34, %get3A_35] : memref<10000x1xf32, #tpu.memory_space<vmem>>, vector<10000x1xf32>
    %add3A_37 = arith.addf %get3A_33, %get3A_36 : vector<10000x1xf32>
    %add3A_38 = arith.constant 1.000000e+00 : f32
    %add3A_39 = vector.broadcast %add3A_38 : f32 to vector<10000x1xf32>
    %add3A_40 = arith.addf %add3A_37, %add3A_39 : vector<10000x1xf32>
    %rsqrt3A = math.rsqrt %add3A_40 : vector<10000x1xf32>
    %swap3A = arith.constant 0 : index
    %swap3A_41 = arith.constant 0 : index
    %swap3A_42 = vector.load %arg9[%swap3A, %swap3A_41] : memref<10000x1xf32, #tpu.memory_space<vmem>>, vector<10000x1xf32>
    tpu.vector_store %arg9[%swap3A, %swap3A_41], %rsqrt3A {strides = array<i32>} : memref<10000x1xf32, #tpu.memory_space<vmem>>, vector<10000x1xf32>,
    %get3A_43 = arith.constant 0 : index
    %get3A_44 = arith.constant 0 : index
    %get3A_45 = vector.load %arg7[%get3A_43, %get3A_44] : memref<128x128xf32, #tpu.memory_space<vmem>>, vector<128x128xf32>
    %dot_general3A_46 = arith.constant dense<0.000000e+00> : vector<10000x128xf32>
    %dot_general3A_47 = tpu.matmul %select_n3A_30, %get3A_45, %dot_general3A_46 {dimension_numbers = #tpu.dot_dimension_numbers<[1], [0], [0], [1], [0, 0, 1, 1], [], []>, transpose_lhs_hint = false} : vector<10000x128xf32>, vector<128x128xf32>, vector<10000x128xf32> -> vector<10000x128xf32>
    %mul3A_48 = vector.broadcast %rsqrt3A : vector<10000x1xf32> to vector<10000x128xf32>
    %mul3A_49 = arith.mulf %mul3A_48, %dot_general3A_47 : vector<10000x128xf32>
    %swap3A_50 = arith.constant 0 : index
    %swap3A_51 = arith.constant 0 : index
    %swap3A_52 = vector.load %arg8[%swap3A_50, %swap3A_51] : memref<10128x128xf32, #tpu.memory_space<vmem>>, vector<10000x128xf32>
    tpu.vector_store %arg8[%swap3A_50, %swap3A_51], %mul3A_49 {strides = array<i32>} : memref<10128x128xf32, #tpu.memory_space<vmem>>, vector<10000x128xf32>,
    %broadcast_in_dim3A = arith.constant 0.000000e+00 : f32
    %broadcast_in_dim3A_53 = vector.broadcast %broadcast_in_dim3A : f32 to vector<128x128xf32>
    %swap3A_54 = arith.constant 10000 : index
    %swap3A_55 = arith.constant 0 : index
    %swap3A_56 = vector.load %arg8[%swap3A_54, %swap3A_55] : memref<10128x128xf32, #tpu.memory_space<vmem>>, vector<128x128xf32>
    tpu.vector_store %arg8[%swap3A_54, %swap3A_55], %broadcast_in_dim3A_53 {strides = array<i32>} : memref<10128x128xf32, #tpu.memory_space<vmem>>, vector<128x128xf32>,
    return
  }
}

module attributes {stable_mosaic.version = 14 : i64} {
  func.func @_tc3_body(%arg0: memref<2x10000x128xf32, #tpu.memory_space<vmem>>, %arg1: memref<10128x128xf32, #tpu.memory_space<vmem>>, %arg2: memref<10000x1xf32, #tpu.memory_space<vmem>>, %arg3: memref<1x128xf32, #tpu.memory_space<vmem>>, %arg4: memref<128x128xf32, #tpu.memory_space<vmem>>, %arg5: memref<10000x128xf32, #tpu.memory_space<vmem>>, %arg6: memref<10128x128xf32, #tpu.memory_space<vmem>>) attributes {dimension_semantics = [], scalar_prefetch = 0 : i64, scratch_operands = 0 : i64, tpu.core_type = #tpu.core_type<tc>} {
    %get3A = arith.constant 0 : index
    %get3A_0 = arith.constant 0 : index
    %get3A_1 = arith.constant 0 : index
    %get3A_2 = vector.load %arg0[%get3A, %get3A_0, %get3A_1] : memref<2x10000x128xf32, #tpu.memory_space<vmem>>, vector<1x10000x128xf32>
    %get3A_3 = vector.shape_cast %get3A_2 : vector<1x10000x128xf32> to vector<10000x128xf32>
    %get3A_4 = arith.constant 1 : index
    %get3A_5 = arith.constant 0 : index
    %get3A_6 = arith.constant 0 : index
    %get3A_7 = vector.load %arg0[%get3A_4, %get3A_5, %get3A_6] : memref<2x10000x128xf32, #tpu.memory_space<vmem>>, vector<1x10000x128xf32>
    %get3A_8 = vector.shape_cast %get3A_7 : vector<1x10000x128xf32> to vector<10000x128xf32>
    %add3A = arith.addf %get3A_3, %get3A_8 : vector<10000x128xf32>
    %get3A_9 = arith.constant 0 : index
    %get3A_10 = arith.constant 0 : index
    %get3A_11 = vector.load %arg1[%get3A_9, %get3A_10] : memref<10128x128xf32, #tpu.memory_space<vmem>>, vector<10000x128xf32>
    %add3A_12 = arith.addf %add3A, %get3A_11 : vector<10000x128xf32>
    %get3A_13 = arith.constant 0 : index
    %get3A_14 = arith.constant 0 : index
    %get3A_15 = vector.load %arg2[%get3A_13, %get3A_14] : memref<10000x1xf32, #tpu.memory_space<vmem>>, vector<10000x1xf32>
    %mul3A = vector.broadcast %get3A_15 : vector<10000x1xf32> to vector<10000x128xf32>
    %mul3A_16 = arith.mulf %mul3A, %add3A_12 : vector<10000x128xf32>
    %get3A_17 = arith.constant 0 : index
    %get3A_18 = arith.constant 0 : index
    %get3A_19 = vector.load %arg3[%get3A_17, %get3A_18] : memref<1x128xf32, #tpu.memory_space<vmem>>, vector<1x128xf32>
    %add3A_20 = vector.broadcast %get3A_19 : vector<1x128xf32> to vector<10000x128xf32>
    %add3A_21 = arith.addf %mul3A_16, %add3A_20 : vector<10000x128xf32>
    %ge3A = arith.constant 0.000000e+00 : f32
    %ge3A_22 = vector.broadcast %ge3A : f32 to vector<10000x128xf32>
    %ge3A_23 = arith.cmpf oge, %add3A_21, %ge3A_22 : vector<10000x128xf32>
    %mul3A_24 = arith.constant 0.00999999977 : f32
    %mul3A_25 = vector.broadcast %mul3A_24 : f32 to vector<10000x128xf32>
    %mul3A_26 = arith.mulf %mul3A_25, %add3A_21 : vector<10000x128xf32>
    %select_n3A = arith.select %ge3A_23, %add3A_21, %mul3A_26 : vector<10000x128xi1>, vector<10000x128xf32>
    %swap3A = arith.constant 0 : index
    %swap3A_27 = arith.constant 0 : index
    %swap3A_28 = vector.load %arg5[%swap3A, %swap3A_27] : memref<10000x128xf32, #tpu.memory_space<vmem>>, vector<10000x128xf32>
    tpu.vector_store %arg5[%swap3A, %swap3A_27], %select_n3A {strides = array<i32>} : memref<10000x128xf32, #tpu.memory_space<vmem>>, vector<10000x128xf32>,
    %get3A_29 = arith.constant 0 : index
    %get3A_30 = arith.constant 0 : index
    %get3A_31 = vector.load %arg4[%get3A_29, %get3A_30] : memref<128x128xf32, #tpu.memory_space<vmem>>, vector<128x128xf32>
    %dot_general3A = arith.constant dense<0.000000e+00> : vector<10000x128xf32>
    %dot_general3A_32 = tpu.matmul %select_n3A, %get3A_31, %dot_general3A {dimension_numbers = #tpu.dot_dimension_numbers<[1], [0], [0], [1], [0, 0, 1, 1], [], []>, transpose_lhs_hint = false} : vector<10000x128xf32>, vector<128x128xf32>, vector<10000x128xf32> -> vector<10000x128xf32>
    %mul3A_33 = vector.broadcast %get3A_15 : vector<10000x1xf32> to vector<10000x128xf32>
    %mul3A_34 = arith.mulf %mul3A_33, %dot_general3A_32 : vector<10000x128xf32>
    %swap3A_35 = arith.constant 0 : index
    %swap3A_36 = arith.constant 0 : index
    %swap3A_37 = vector.load %arg6[%swap3A_35, %swap3A_36] : memref<10128x128xf32, #tpu.memory_space<vmem>>, vector<10000x128xf32>
    tpu.vector_store %arg6[%swap3A_35, %swap3A_36], %mul3A_34 {strides = array<i32>} : memref<10128x128xf32, #tpu.memory_space<vmem>>, vector<10000x128xf32>,
    %broadcast_in_dim3A = arith.constant 0.000000e+00 : f32
    %broadcast_in_dim3A_38 = vector.broadcast %broadcast_in_dim3A : f32 to vector<128x128xf32>
    %swap3A_39 = arith.constant 10000 : index
    %swap3A_40 = arith.constant 0 : index
    %swap3A_41 = vector.load %arg6[%swap3A_39, %swap3A_40] : memref<10128x128xf32, #tpu.memory_space<vmem>>, vector<128x128xf32>
    tpu.vector_store %arg6[%swap3A_39, %swap3A_40], %broadcast_in_dim3A_38 {strides = array<i32>} : memref<10128x128xf32, #tpu.memory_space<vmem>>, vector<128x128xf32>,
    return
  }
}

module attributes {stable_mosaic.version = 14 : i64} {
  func.func @_tc4_body(%arg0: memref<2x10000x128xf32, #tpu.memory_space<vmem>>, %arg1: memref<10128x128xf32, #tpu.memory_space<vmem>>, %arg2: memref<10000x1xf32, #tpu.memory_space<vmem>>, %arg3: memref<1x128xf32, #tpu.memory_space<vmem>>, %arg4: memref<128x1xf32, #tpu.memory_space<vmem>>, %arg5: memref<1x1xf32, #tpu.memory_space<vmem>>, %arg6: memref<10000x128xf32, #tpu.memory_space<vmem>>, %arg7: memref<10000x1xf32, #tpu.memory_space<vmem>>) attributes {dimension_semantics = [], scalar_prefetch = 0 : i64, scratch_operands = 0 : i64, tpu.core_type = #tpu.core_type<tc>} {
    %get3A = arith.constant 0 : index
    %get3A_0 = arith.constant 0 : index
    %get3A_1 = arith.constant 0 : index
    %get3A_2 = vector.load %arg0[%get3A, %get3A_0, %get3A_1] : memref<2x10000x128xf32, #tpu.memory_space<vmem>>, vector<1x10000x128xf32>
    %get3A_3 = vector.shape_cast %get3A_2 : vector<1x10000x128xf32> to vector<10000x128xf32>
    %get3A_4 = arith.constant 1 : index
    %get3A_5 = arith.constant 0 : index
    %get3A_6 = arith.constant 0 : index
    %get3A_7 = vector.load %arg0[%get3A_4, %get3A_5, %get3A_6] : memref<2x10000x128xf32, #tpu.memory_space<vmem>>, vector<1x10000x128xf32>
    %get3A_8 = vector.shape_cast %get3A_7 : vector<1x10000x128xf32> to vector<10000x128xf32>
    %add3A = arith.addf %get3A_3, %get3A_8 : vector<10000x128xf32>
    %get3A_9 = arith.constant 0 : index
    %get3A_10 = arith.constant 0 : index
    %get3A_11 = vector.load %arg1[%get3A_9, %get3A_10] : memref<10128x128xf32, #tpu.memory_space<vmem>>, vector<10000x128xf32>
    %add3A_12 = arith.addf %add3A, %get3A_11 : vector<10000x128xf32>
    %get3A_13 = arith.constant 0 : index
    %get3A_14 = arith.constant 0 : index
    %get3A_15 = vector.load %arg2[%get3A_13, %get3A_14] : memref<10000x1xf32, #tpu.memory_space<vmem>>, vector<10000x1xf32>
    %mul3A = vector.broadcast %get3A_15 : vector<10000x1xf32> to vector<10000x128xf32>
    %mul3A_16 = arith.mulf %mul3A, %add3A_12 : vector<10000x128xf32>
    %get3A_17 = arith.constant 0 : index
    %get3A_18 = arith.constant 0 : index
    %get3A_19 = vector.load %arg3[%get3A_17, %get3A_18] : memref<1x128xf32, #tpu.memory_space<vmem>>, vector<1x128xf32>
    %add3A_20 = vector.broadcast %get3A_19 : vector<1x128xf32> to vector<10000x128xf32>
    %add3A_21 = arith.addf %mul3A_16, %add3A_20 : vector<10000x128xf32>
    %ge3A = arith.constant 0.000000e+00 : f32
    %ge3A_22 = vector.broadcast %ge3A : f32 to vector<10000x128xf32>
    %ge3A_23 = arith.cmpf oge, %add3A_21, %ge3A_22 : vector<10000x128xf32>
    %mul3A_24 = arith.constant 0.00999999977 : f32
    %mul3A_25 = vector.broadcast %mul3A_24 : f32 to vector<10000x128xf32>
    %mul3A_26 = arith.mulf %mul3A_25, %add3A_21 : vector<10000x128xf32>
    %select_n3A = arith.select %ge3A_23, %add3A_21, %mul3A_26 : vector<10000x128xi1>, vector<10000x128xf32>
    %swap3A = arith.constant 0 : index
    %swap3A_27 = arith.constant 0 : index
    %swap3A_28 = vector.load %arg6[%swap3A, %swap3A_27] : memref<10000x128xf32, #tpu.memory_space<vmem>>, vector<10000x128xf32>
    tpu.vector_store %arg6[%swap3A, %swap3A_27], %select_n3A {strides = array<i32>} : memref<10000x128xf32, #tpu.memory_space<vmem>>, vector<10000x128xf32>,
    %get3A_29 = arith.constant 0 : index
    %get3A_30 = arith.constant 0 : index
    %get3A_31 = vector.load %arg4[%get3A_29, %get3A_30] : memref<128x1xf32, #tpu.memory_space<vmem>>, vector<128x1xf32>
    %dot_general3A = arith.constant dense<0.000000e+00> : vector<10000x1xf32>
    %dot_general3A_32 = tpu.matmul %select_n3A, %get3A_31, %dot_general3A {dimension_numbers = #tpu.dot_dimension_numbers<[1], [0], [0], [1], [0, 0, 1, 1], [], []>, transpose_lhs_hint = false} : vector<10000x128xf32>, vector<128x1xf32>, vector<10000x1xf32> -> vector<10000x1xf32>
    %get3A_33 = arith.constant 0 : index
    %get3A_34 = arith.constant 0 : index
    %get3A_35 = vector.load %arg5[%get3A_33, %get3A_34] : memref<1x1xf32, #tpu.memory_space<vmem>>, vector<1x1xf32>
    %add3A_36 = vector.broadcast %get3A_35 : vector<1x1xf32> to vector<10000x1xf32>
    %add3A_37 = arith.addf %dot_general3A_32, %add3A_36 : vector<10000x1xf32>
    %swap3A_38 = arith.constant 0 : index
    %swap3A_39 = arith.constant 0 : index
    %swap3A_40 = vector.load %arg7[%swap3A_38, %swap3A_39] : memref<10000x1xf32, #tpu.memory_space<vmem>>, vector<10000x1xf32>
    tpu.vector_store %arg7[%swap3A_38, %swap3A_39], %add3A_37 {strides = array<i32>} : memref<10000x1xf32, #tpu.memory_space<vmem>>, vector<10000x1xf32>,
    return
  }
}

</mosaic_0001>

<sc_bundles>
// kernel: kernel.11.cloned.1.call-start
scs
__scs_entry_jumppad:
0x0: {  	(pc) =	sbr.rel $0x88, $3  }
0x1: {  	(tag) =	ssettag $0x0;
	lr =	simm.s32 $0x1  }
0x2: {  	[smem:$0x3F95] =	sst lr;
	_ =	strace $0xD0000000  }
0x3: {  	_ = 	snop  }
0x4: {  	_ = 	snop  }
0x5: {  	_ = 	snop  }
0x6: {  	_ = 	snop  }
0x7: {  	_ = 	snop  }
__scs_overlays_trampoline_lowered:
0x8: {  	[smem:$0x3FA4] =	sst s0  }
0x9: {  	[smem:$0x3FA5] =	sst s1  }
0xa: {  	[smem:$0x3FA6] =	sst s2  }
0xb: {  	[smem:$0x3FA7] =	sst s3  }
0xc: {  	[smem:$0x3FA8] =	sst s4  }
0xd: {  	[smem:$0x3FA9] =	sst s5  }
0xe: {  	[smem:$0x3FAA] =	sst s6  }
0xf: {  	[smem:$0x3FAB] =	sst s7  }
0x10: {  	[smem:$0x3FAC] =	sst s8  }
0x11: {  	[smem:$0x3FAD] =	sst s9;
	s0 =	simm.s32 @!p0 $0x0  }
0x12: {  	s1 =	sld [smem:$0x3F93];
	s0 =	simm.s32 @p0 $0x1  }
0x13: {  	[smem:$0x3FAE] =	sst s0;
	s0 =	simm.s32 @!p1 $0x0  }
0x14: {  	s2 =	sld [smem:$0x3F92];
	s0 =	simm.s32 @p1 $0x1  }
0x15: {  	[smem:$0x3FAF] =	sst s0;
	s0 =	simm.s32 @!p2 $0x0  }
0x16: {  	s3 =	sld [smem:$0x3FDB];
	s0 =	simm.s32 @p2 $0x1  }
0x17: {  	s4 =	simm.s32 $0x1BF5;
	[smem:$0x3FB1] =	sst s0  }
0x18: {  	s0 =	sld [smem:$0x3F94];
	_ =	swait.ge [sflag:s4], $0x0  }
0x19: {  	s7 =	sld [smem:$0x3F95]  }
0x1a: {  	s8 =	sadd.s32 $0xFFFFE003, lr  }
0x1b: {  	s9 =	sadd.s32 $0xFFFFFEF7, lr;
	s5 =	simm.s32 $0xFFFFFFFF;
	p2 =	slt.u32 s8, $0xFFFFF086  }
0x1c: {  	p1 =	slt.u32 s9, $0xF7A;
	s5 =	simm.s32 @!p2 $0x0  }
0x1d: {  	s5 =	simm.s32 @p1 $0x1;
	p0 =	seq.s32 s7, s2  }
0x1e: {  	s7 =	smul.u32 @!p0 $0xF7A, s2;
	p2 =	seq.s32 @!p0 s5, $0x0  }
0x1f: {  	s9 =	smul.u32 $0xF7A, s1;
	s8 =	simm.s32 @!p0 $0x1BF5;
	p2 =	por !p2, p0  }
0x20: {  	[sflag:s8] =	ssyncset.s32 @!p0 $0xFFFFF086;
	s6 =	sadd.s32 @!p0 s3, s7;
	s7 =	simm.s32 @!p0 $0x108  }
0x21: {  	s3 =	sadd.s32 s3, s9;
	s6 =	sadd.s32 @!p0 $0x88, s6;
	s7 =	simm.s32 @p2 $0x1082  }
0x22: {  	[simem:s7], [sflag:s8] =	dma.local @!p0 [hbm:s6], $0xF7A  }
0x23: {  	s9 =	sor.u32 $0xD0000000, s2;
	s6 =	simm.s32 $0x108;
	_ =	swait.ge @!p0 [sflag:s8], $0x0  }
0x24: {  	s3 =	sadd.s32 $0x88, s3;
	s6 =	simm.s32 @!p1 $0x1082;
	[sflag:s4] =	ssyncset.s32 $0xFFFFF086  }
0x25: {  	[simem:s6], [sflag:s4] =	dma.local [hbm:s3], $0xF7A  }
0x26: {  	[smem:$0x3F95] =	sst s1;
	(tag) =	ssettag s2;
	_ =	strace s9  }
0x27: {  	s1 =	sld [smem:$0x3FA5]  }
0x28: {  	s2 =	sld [smem:$0x3FA6]  }
0x29: {  	s4 =	sld [smem:$0x3FA8]  }
0x2a: {  	p0 =	seq.s32 s5, $0x0;
	s5 =	sld [smem:$0x3FA9]  }
0x2b: {  	s6 =	sld [smem:$0x3FAA]  }
0x2c: {  	s7 =	sld [smem:$0x3FAB]  }
0x2d: {  	s3 =	simm.s32 $0x108;
	s8 =	sld [smem:$0x3FAC]  }
0x2e: {  	s3 =	simm.s32 @!p0 $0x1082;
	s9 =	sld [smem:$0x3FAD]  }
0x2f: {  	lr =	sadd.s32 s0, s3;
	s0 =	sld [smem:$0x3FA4]  }
0x30: {  	s3 =	sld [smem:$0x3FA7]  }
0x31: {  	[smem:$0x3FB0] =	sst s10  }
0x32: {  	s10 =	sld [smem:$0x3FAE];
	_ =	sdelay $0x3  }
0x33: {  	p0 =	seq.s32 s10, $0x1;
	s10 =	sld [smem:$0x3FB0];
	_ =	sdelay $0x3  }
0x34: {  	[smem:$0x3FB0] =	sst s10  }
0x35: {  	s10 =	sld [smem:$0x3FAF];
	_ =	sdelay $0x3  }
0x36: {  	p1 =	seq.s32 s10, $0x1;
	s10 =	sld [smem:$0x3FB0];
	_ =	sdelay $0x3  }
0x37: {  	[smem:$0x3FB0] =	sst s10  }
0x38: {  	s10 =	sld [smem:$0x3FB1]  }
0x39: {  	_ = 	snop;
	(pc) =	sbr.ind lr, $3  }
0x3a: {  	_ = 	snop  }
0x3b: {  	_ = 	snop  }
0x3c: {  	p2 =	seq.s32 s10, $0x1;
	s10 =	sld [smem:$0x3FB0]  }
0x3d: {  	_ =	shalt  }
0x3e: {  	_ =	shalt  }
0x3f: {  	_ =	shalt  }
0x40: {  	_ =	shalt  }
0x41: {  	_ =	shalt  }
0x42: {  	_ =	shalt  }
0x43: {  	_ =	shalt  }
0x44: {  	_ =	shalt  }
0x45: {  	_ =	shalt  }
0x46: {  	_ =	shalt  }
0x47: {  	_ =	shalt  }
0x48: {  	_ =	shalt  }
0x49: {  	_ =	shalt  }
0x4a: {  	_ =	shalt  }
0x4b: {  	_ =	shalt  }
0x4c: {  	_ =	shalt  }
0x4d: {  	_ =	shalt  }
0x4e: {  	_ =	shalt  }
0x4f: {  	_ =	shalt  }
0x50: {  	_ =	shalt  }
0x51: {  	_ =	shalt  }
0x52: {  	_ =	shalt  }
0x53: {  	_ =	shalt  }
0x54: {  	_ =	shalt  }
0x55: {  	_ =	shalt  }
0x56: {  	_ =	shalt  }
0x57: {  	_ =	shalt  }
0x58: {  	_ =	shalt  }
0x59: {  	_ =	shalt  }
0x5a: {  	_ =	shalt  }
0x5b: {  	_ =	shalt  }
0x5c: {  	_ =	shalt  }
0x5d: {  	_ =	shalt  }
0x5e: {  	_ =	shalt  }
0x5f: {  	_ =	shalt  }
0x60: {  	_ =	shalt  }
0x61: {  	_ =	shalt  }
0x62: {  	_ =	shalt  }
0x63: {  	_ =	shalt  }
0x64: {  	_ =	shalt  }
0x65: {  	_ =	shalt  }
0x66: {  	_ =	shalt  }
0x67: {  	_ =	shalt  }
0x68: {  	_ =	shalt  }
0x69: {  	_ =	shalt  }
0x6a: {  	_ =	shalt  }
0x6b: {  	_ =	shalt  }
0x6c: {  	_ =	shalt  }
0x6d: {  	_ =	shalt  }
0x6e: {  	_ =	shalt  }
0x6f: {  	_ =	shalt  }
0x70: {  	_ =	shalt  }
0x71: {  	_ =	shalt  }
0x72: {  	_ =	shalt  }
0x73: {  	_ =	shalt  }
0x74: {  	_ =	shalt  }
0x75: {  	_ =	shalt  }
0x76: {  	_ =	shalt  }
0x77: {  	_ =	shalt  }
0x78: {  	_ =	shalt  }
0x79: {  	_ =	shalt  }
0x7a: {  	_ =	shalt  }
0x7b: {  	_ =	shalt  }
0x7c: {  	_ =	shalt  }
0x7d: {  	_ =	shalt  }
0x7e: {  	_ =	shalt  }
0x7f: {  	_ =	shalt  }
0x80: {  	_ =	shalt  }
0x81: {  	_ =	shalt  }
0x82: {  	_ =	shalt  }
0x83: {  	_ =	shalt  }
0x84: {  	_ =	shalt  }
0x85: {  	_ =	shalt  }
0x86: {  	_ =	shalt  }
0x87: {  	_ =	shalt  }
.Lfunc_end0:
.L_simem_size_0:
called_computation.1_lowered:
.L_overlay_start_0:
0x88: {  	s2 =	sld [smem:$0x3FD9]  }
0x89: {  	s3 =	sld [smem:$0x3FFE];
	_ =	sdelay $0x1  }
0x8a: {  	s1 =	srdreg.scid  }
0x8b: {  	s0 =	sand.u32 $0x1, s1  }
0x8c: {  	s14 =	sshll.u32 s0, $0xA;
	s2 =	sadd.s32 s3, s2  }
0x8d: {  	s2 =	sadd.s32 s2, s14  }
0x8e: {  	[smem:$0x3FBC] =	sst s2  }
0x8f: {  	_ = 	snop  }
0x90: {  	s2 =	sld [smem:$0x3FD0];
	_ =	sdelay $0x2  }
0x91: {  	s15 =	simm.s32 $0xA;
	s4 =	simm.s32 $0x10  }
0x92: {  	[smem:s4], [sflag:s15] =	dma.local [hbm:s2], $0x1  }
0x93: {  	_ =	swait.eq [sflag:s15], $0x1  }
0x94: {  	[sflag:s15] =	ssyncset.done $0x0  }
0x95: {  	[sflag:s15] =	ssyncadd.s32 $0xFFFFFFFF  }
0x96: {  	s16 =	sld [smem:$0x12];
	(tm) =	ssettm $0x1  }
0x97: {  	s17 =	sld [smem:$0x3FFB];
	_ =	sdelay $0x3  }
0x98: {  	_ =	strace s17  }
0x99: {  	s3 =	sld [smem:$0x3FFC];
	_ =	sdelay $0x3  }
0x9a: {  	_ =	strace s3  }
0x9b: {  	s3 =	sld [smem:$0x3FFD];
	_ =	sdelay $0x3  }
0x9c: {  	_ =	strace s3  }
0x9d: {  	_ =	strace $0x8FFFFFFF  }
0x9e: {  	s18 =	sld [smem:$0x3FDB];
	_ =	sdelay $0x1  }
0x9f: {  	s19 =	simm.s32 $_scs_section_size  }
0xa0: {  	s5 =	simm.s32 $_size__tile_overlayer_lowered;
	s6 =	simm.s32 $_tile_overlayer_lowered  }
0xa1: {  	s22 =	simm.s32 $0x1BFF;
	s21 =	sshll.u32 s6, $0x1;
	s3 =	sadd.s32 s19, s18  }
0xa2: {  	s7 =	simm.s32 $0x0;
	s20 =	sshll.u32 s5, $0x1;
	s5 =	sadd.s32 s21, s3  }
0xa3: {  	[timem:s7], [sflag:s22] =	dma.local [hbm:s5], s20  }
0xa4: {  	_ =	swait.ge [sflag:s22], s20  }
0xa5: {  	s4 =	ssub.s32 $0x0, s20;
	[sflag:s22] =	ssyncset.done $0x0  }
0xa6: {  	[sflag:s22] =	ssyncadd.s32 s4;
	_ =	sdelay $0x1  }
0xa7: {  	s23 =	simm.s32 $0x1B8B  }
0xa8: {  	_ =	swait.ge [sflag:s23], $0x1  }
0xa9: {  	[sflag:s23] =	ssyncset.done $0x0  }
0xaa: {  	s25 =	simm.s32 $0x1B8E;
	s24 =	sld [smem:$0x3FFE];
	[sflag:s23] =	ssyncadd.s32 $0xFFFFFFFF  }
0xab: {  	s26 =	simm.s32 $execute0_lowered;
	[smem:$0x3FD2] =	sst s25  }
0xac: {  	s5 =	sshll.u32 s26, $0x1;
	_ =	strace $0x80000049;
	[dreg:$0x1] =	wrdreg $0xFFFFFFFF  }
0xad: {  	s28 =	simm.s32 $_size_execute0_lowered;
	s3 =	sadd.s32 s3, s5;
	[dreg:$0x0] =	wrdreg $0x0  }
0xae: {  	s5 =	sshll.u32 s28, $0x1;
	[dreg:$0x2] =	wrdreg s3  }
0xaf: {  	[dreg:$0x3] =	wrdreg s5  }
0xb0: {  	[dreg:$0x4] =	wrdreg $0xC0  }
0xb1: {  	_ =	task [dreg:s7], $0x5FFFF  }
0xb2: {  	[dreg:$0x1] =	wrdreg $0xFFFFFFFF  }
0xb3: {  	[dreg:$0x0] =	wrdreg $0x60  }
0xb4: {  	[dreg:$0x2] =	wrdreg s24  }
0xb5: {  	[dreg:$0x3] =	wrdreg s16  }
0xb6: {  	[dreg:$0x4] =	wrdreg $0xC6000  }
0xb7: {  	[dreg:$0x5] =	wrdreg $0x9  }
0xb8: {  	_ =	task.clear_ibuf [dreg:s7], $0x6FFFF;
	_ =	strace $0x90000049  }
0xb9: {  	s29 =	simm.s32 $0x9;
	_ =	strace $0x8000004B  }
0xba: {  	_ =	swait.ge [sflag:s29], $0x1  }
0xbb: {  	[sflag:s29] =	ssyncadd.s32 $0xFFFFFFFF  }
0xbc: {  	_ =	strace $0x9000004B  }
0xbd: {  	_ =	sfence  }
0xbe: {  	s30 =	sld [smem:$0x0];
	_ =	sdelay $0x2  }
0xbf: {  	s31 =	sshll.u32 s1, $0xD;
	s1 =	sshrl.u32 s1, $0x2  }
0xc0: {  	s3 =	sand.u32 $0x4000, s31;
	s1 =	sadd.s32 s1, s30  }
0xc1: {  	s0 =	sor.u32 s3, s0;
	s1 =	sshll.u32 s1, $0x11  }
0xc2: {  	s0 =	sor.u32 s1, s0  }
0xc3: {  	s0 =	sadd.s32 $0x8F2B, s0  }
0xc4: {  	[sflag:s0] =	ssyncadd.remote.s32 $0x1  }
0xc5: {  	_ =	sfence.sel $0xFFFF  }
0xc6: {  	[dreg:$0x0] =	wrdreg $0xFFFFFFFF;
	(pc) =	sbr.abs _section_cstart, $3  }
0xc7: {  	[dreg:$0x1] =	wrdreg $0xFFFFFFFF  }
0xc8: {  	_ =	task.clear_ibuf [dreg:s7], $0x2FFFF;
	_ =	strace $0x9FFFFFFF  }
0xc9: {  	(tm) =	ssettm $0x7FFFFFFF  }
tec
execute0_lowered:
.L_overlay_start_1:
0x0: {  	(tag) =	ssettag $0x1  }
0x1: {  	s0 =	rddreg [dreg:$0x0]  }
0x2: {  	s3 =	rddreg [dreg:$0x1]  }
0x3: {  	s1 =	rddreg [dreg:$0x2];
	s2 =	simm.s32 $0x0;
	s5 =	srdreg.scid  }
0x4: {  	s28 =	simm.s32 $0x480;
	s29 =	simm.s32 $0x3;
	s30 =	simm.s32 $0x500  }
0x5: {  	[smem:$0x7FF] =	sst s2;
	s4 =	sadd.s32 $0x3400, s0;
	s6 =	sadd.s32 $0x56400, s0  }
0x6: {  	s7 =	sand.u32 $0x1, s5;
	s17 =	sadd.s32 $0x2AE00, s0;
	s0 =	sadd.s32 $0x63C00, s0  }
0x7: {  	s5 =	stileid.u32;
	s16 =	sadd.s32 $0x128400, s1;
	_ =	strace $0x8000004A  }
0x8: {  	[dreg:$0x4] =	wrdreg s17;
	s8 =	ssub.s32 $0x2, s7;
	s10 =	smul.u32 $0x4F000, s5  }
0x9: {  	s18 =	sshll.u32 s7, $0xD;
	s11 =	sshll.u32 s5, $0x9;
	s7 =	smul.u32 $0x138800, s7  }
0xa: {  	s12 =	smul.u32 $0x13C00, s5;
	p0 =	seq.s32 s5, $0xF;
	s9 =	sshrl.u32 s8, $0x1  }
0xb: {  	s16 =	sshrl.u32 @p0 s16, $0x3;
	s8 =	ssub.s32 s8, s9;
	s10 =	sshrl.u32 s10, $0x2  }
0xc: {  	s9 =	sor.u32 s11, s18;
	s20 =	sadd.s32 s12, s7;
	s7 =	sshrl.u32 s7, $0x3  }
0xd: {  	s10 =	sadd.s32 s10, s1;
	s11 =	sshrl.u32 s9, $0x3;
	s21 =	sor.u32 $0x8000, s9  }
0xe: {  	s7 =	sadd.s32 s0, s7;
	s23 =	smax.u32 s8, $0x1;
	s26 =	sor.u32 $0xC000, s9  }
0xf: {  	s8 =	simm.s32 $0x8;
	s9 =	simm.s32 $0x0;
	s13 =	sadd.s32 s3, s11  }
0x10: {  	s14 =	sadd.s32 s6, s11;
	s11 =	sshrl.u32 s20, $0x3;
	s22 =	sadd.s32 $0x25080, s7  }
0x11: {  	[dreg:$0xa] =	wrdreg s23;
	s25 =	sshrl.u32 s21, $0x3;
	s7 =	sshrl.u32 s26, $0x3  }
0x12: {  	s18 =	sshrl.u32 @!p0 s10, $0x3;
	s21 =	simm.s32 $0x80;
	[dreg:$0x5] =	wrdreg s13  }
0x13: {  	s23 =	simm.s32 $0x4600;
	s26 =	simm.s32 $0x2;
	[dreg:$0x9] =	wrdreg s22  }
0x14: {  	s19 =	sadd.s32 $0x800, s13;
	s0 =	sadd.s32 s0, s11;
	[dreg:$0x6] =	wrdreg s14  }
0x15: {  	s24 =	sadd.s32 $0x800, s14;
	s31 =	sadd.s32 s3, s25;
	s14 =	sadd.s32 s7, s3  }
0x16: {  	s15 =	sadd.s32 s25, s6;
	s22 =	simm.s32 $0x600;
	[dreg:$0x7] =	wrdreg s19  }
0x17: {  	s25 =	simm.s32 $0x8600;
	s3 =	simm.s32 $0x5;
	[dreg:$0x8] =	wrdreg s0  }
0x18: {  	s6 =	simm.s32 $0x1;
	s7 =	simm.s32 $0x400;
	[dreg:$0xb] =	wrdreg s24  }
0x19: {  	[dreg:$0xc] =	wrdreg s31;
	s0 =	sshll.u32 @!p0 s5, $0x6;
	s19 =	simm.s32 $0x9  }
0x1a: {  	s24 =	simm.s32 $0x6;
	s17 =	sor.u32 @!p0 $0x1C09, s0;
	s0 =	simm.s32 $0x4  }
.LBB2_1:
0x1b: {  	s10 =	simm.s32 @p0 $0x1FC9;
	s5 =	rddreg [dreg:$0x4]  }
0x1c: {  	[spmem:s16], [sflag:s10] =	dma.local @p0 [hbm:s5], $0x2080  }
0x1d: {  	s10 =	simm.s32 @p0 $0x9  }
0x1e: {  	_ =	swait.ge @p0 [sflag:s10], $0x2080  }
0x1f: {  	[sflag:s10] =	ssyncset.done @p0 $0x0  }
0x20: {  	[sflag:s10] =	ssyncadd.s32 @p0 $0xFFFFDF80;
	s10 =	simm.s32 @!p0 $0x9  }
0x21: {  	[spmem:s18], [sflag:s17] =	dma.local @!p0 [hbm:s5], $0x2780  }
0x22: {  	_ =	swait.ge @!p0 [sflag:s10], $0x2780  }
0x23: {  	[sflag:s10] =	ssyncset.done @!p0 $0x0  }
0x24: {  	[sflag:s10] =	ssyncadd.s32 @!p0 $0xFFFFD880  }
0x25: {  	[bflag:$0x0] =	sbarrier.arrive $0xFFFF  }
0x26: {  	s11 =	rddreg [dreg:$0x5]  }
0x27: {  	[tilespmem:s2], [sflag:$0x9] =	stream.linear.gather [hbm4b:s11+s2], $0x180, $0x38;
	[tilespmem:$0x1FE80] =	vst v63  }
0x28: {  	_ =	swait.ge [sflag:s19], $0x180  }
0x29: {  	[sflag:s19] =	ssyncset.done $0x0  }
0x2a: {  	s12 =	rddreg [dreg:$0x6];
	[sflag:s19] =	ssyncadd.s32 $0xFFFFFE80  }
0x2b: {  	[tilespmem:s7], [sflag:$0x9] =	stream.linear.gather [hbm4b:s12+s2], $0x180, $0x38;
	[tilespmem:$0x1FE80] =	vst v63  }
0x2c: {  	_ =	swait.ge [sflag:s19], $0x180  }
0x2d: {  	[sflag:s19] =	ssyncset.done $0x0  }
0x2e: {  	s20 =	simm.s32 $0x200;
	s13 =	rddreg [dreg:$0x7];
	[sflag:s19] =	ssyncadd.s32 $0xFFFFFE80  }
0x2f: {  	[tilespmem:s20], [sflag:$0x7] =	stream.linear.gather [hbm4b:s13+s2], $0x180, $0x38;
	[tilespmem:$0x1FE80] =	vst v63  }
0x30: {  	_ = 	snop  }
0x31: {  	[tilespmem:s22], [sflag:$0x1] =	stream.indirect.gather [hbm4b:s4+s21], $0x80, s2, s21, $0xb8;
	[tilespmem:$0x1FE80] =	vst v63  }
0x32: {  	_ = 	snop  }
0x33: {  	[tilespmem:s23], [sflag:$0x2] =	stream.indirect.gather [hbm4b:s4+s21], $0x80, s21, s21, $0xb8;
	[tilespmem:$0x1FE80] =	vst v63  }
0x34: {  	s31 =	simm.s32 $0x100  }
0x35: {  	[tilespmem:s25], [sflag:$0x3] =	stream.indirect.gather [hbm4b:s4+s21], $0x80, s31, s21, $0xb8;
	[tilespmem:$0x1FE80] =	vst v63  }
0x36: {  	_ =	swait.ge [sflag:s6], $0x4000  }
0x37: {  	[sflag:s6] =	ssyncset.done $0x0  }
0x38: {  	[sflag:s6] =	ssyncadd.s32 $0xFFFFC000  }
0x39: {  	[spmem:s1] =	stream.indirect.scatter.add.f32 [tilespmem:s22], [sflag:$0x4], $0x80, s7, s21, $0xb8;
	[tilespmem:$0x1FE80] =	vst v63  }
0x3a: {  	_ =	swait.ge [sflag:s26], $0x4000  }
0x3b: {  	[sflag:s26] =	ssyncset.done $0x0  }
0x3c: {  	[sflag:s26] =	ssyncadd.s32 $0xFFFFC000  }
0x3d: {  	[spmem:s1] =	stream.indirect.scatter.add.f32 [tilespmem:s23], [sflag:$0x5], $0x80, s28, s21, $0xb8;
	[tilespmem:$0x1FE80] =	vst v63  }
0x3e: {  	_ =	swait.ge [sflag:s29], $0x4000  }
0x3f: {  	[sflag:s29] =	ssyncset.done $0x0  }
0x40: {  	s11 =	simm.s32 $0x7;
	[sflag:s29] =	ssyncadd.s32 $0xFFFFC000  }
0x41: {  	[spmem:s1] =	stream.indirect.scatter.add.f32 [tilespmem:s25], [sflag:$0x6], $0x80, s30, s21, $0xb8;
	[tilespmem:$0x1FE80] =	vst v63  }
0x42: {  	_ =	swait.ge [sflag:s11], $0x180  }
0x43: {  	[sflag:s11] =	ssyncset.done $0x0  }
0x44: {  	[sflag:s11] =	ssyncadd.s32 $0xFFFFFE80  }
0x45: {  	_ =	swait.ge [sflag:s0], $0x4000  }
0x46: {  	[sflag:s0] =	ssyncset.done $0x0  }
0x47: {  	[sflag:s0] =	ssyncadd.s32 $0xFFFFC000  }
0x48: {  	[tilespmem:s22], [sflag:$0x1] =	stream.indirect.gather [hbm4b:s4+s21], $0x80, s20, s21, $0xb8;
	[tilespmem:$0x1FE80] =	vst v63  }
0x49: {  	_ =	swait.ge [sflag:s3], $0x4000  }
0x4a: {  	[sflag:s3] =	ssyncset.done $0x0  }
0x4b: {  	s12 =	simm.s32 $0x280;
	[sflag:s3] =	ssyncadd.s32 $0xFFFFC000  }
0x4c: {  	[tilespmem:s23], [sflag:$0x2] =	stream.indirect.gather [hbm4b:s4+s21], $0x80, s12, s21, $0xb8;
	[tilespmem:$0x1FE80] =	vst v63  }
0x4d: {  	_ =	swait.ge [sflag:s24], $0x4000  }
0x4e: {  	[sflag:s24] =	ssyncset.done $0x0  }
0x4f: {  	s13 =	simm.s32 $0x300;
	[sflag:s24] =	ssyncadd.s32 $0xFFFFC000  }
0x50: {  	[tilespmem:s25], [sflag:$0x3] =	stream.indirect.gather [hbm4b:s4+s21], $0x80, s13, s21, $0xb8;
	[tilespmem:$0x1FE80] =	vst v63  }
0x51: {  	s10 =	simm.s32 $0x800;
	s20 =	rddreg [dreg:$0xb]  }
0x52: {  	[tilespmem:s7], [sflag:$0x8] =	stream.linear.gather [hbm4b:s20+s2], $0x180, $0x38;
	[tilespmem:$0x1FE80] =	vst v63  }
0x53: {  	s11 =	simm.s32 $0x400;
	s12 =	simm.s32 $0x1;
	s31 =	rddreg [dreg:$0xc]  }
0x54: {  	[tilespmem:s2], [sflag:$0x7] =	stream.linear.gather [hbm4b:s31+s2], $0x180, $0x38;
	[tilespmem:$0x1FE80] =	vst v63  }
.LBB2_2:
0x55: {  	_ =	swait.ge [sflag:s8], $0x180  }
0x56: {  	[sflag:s8] =	ssyncset.done $0x0  }
0x57: {  	[sflag:s8] =	ssyncadd.s32 $0xFFFFFE80  }
0x58: {  	_ =	swait.ge [sflag:s6], $0x4000  }
0x59: {  	[sflag:s6] =	ssyncset.done $0x0  }
0x5a: {  	[sflag:s6] =	ssyncadd.s32 $0xFFFFC000  }
0x5b: {  	[spmem:s1] =	stream.indirect.scatter.add.f32 [tilespmem:s22], [sflag:$0x4], $0x80, s7, s21, $0xb8;
	[tilespmem:$0x1FE80] =	vst v63  }
0x5c: {  	_ =	swait.ge [sflag:s26], $0x4000  }
0x5d: {  	[sflag:s26] =	ssyncset.done $0x0  }
0x5e: {  	[sflag:s26] =	ssyncadd.s32 $0xFFFFC000  }
0x5f: {  	[spmem:s1] =	stream.indirect.scatter.add.f32 [tilespmem:s23], [sflag:$0x5], $0x80, s28, s21, $0xb8;
	[tilespmem:$0x1FE80] =	vst v63  }
0x60: {  	_ =	swait.ge [sflag:s29], $0x4000  }
0x61: {  	p1 =	seq.s32 s10, $0xD000;
	[sflag:s29] =	ssyncset.done $0x0  }
0x62: {  	s13 =	simm.s32 @!p1 $0x7;
	[sflag:s29] =	ssyncadd.s32 $0xFFFFC000  }
0x63: {  	[spmem:s1] =	stream.indirect.scatter.add.f32 [tilespmem:s25], [sflag:$0x6], $0x80, s30, s21, $0xb8;
	[tilespmem:$0x1FE80] =	vst v63  }
0x64: {  	_ =	swait.ge @!p1 [sflag:s13], $0x180  }
0x65: {  	[sflag:s13] =	ssyncset.done @!p1 $0x0  }
0x66: {  	[sflag:s13] =	ssyncadd.s32 @!p1 $0xFFFFFE80;
	s13 =	simm.s32 @!p1 $0x4  }
0x67: {  	_ =	swait.ge @!p1 [sflag:s13], $0x4000  }
0x68: {  	s20 =	simm.s32 @!p1 $0x80;
	[sflag:s13] =	ssyncset.done @!p1 $0x0  }
0x69: {  	s31 =	simm.s32 @!p1 $0x600;
	[sflag:s13] =	ssyncadd.s32 @!p1 $0xFFFFC000;
	s13 =	sand.u32 @!p1 $0x200, s11  }
0x6a: {  	[tilespmem:s31], [sflag:$0x1] =	stream.indirect.gather @!p1 [hbm4b:s4+s20], $0x80, s13, s20, $0xb8;
	[tilespmem:$0x1FE80] =	vst v63  }
0x6b: {  	s31 =	simm.s32 @!p1 $0x5  }
0x6c: {  	_ =	swait.ge @!p1 [sflag:s31], $0x4000  }
0x6d: {  	[sflag:s31] =	ssyncset.done @!p1 $0x0  }
0x6e: {  	s5 =	simm.s32 @!p1 $0x4600;
	[sflag:s31] =	ssyncadd.s32 @!p1 $0xFFFFC000;
	s31 =	sor.u32 @!p1 $0x80, s13  }
0x6f: {  	[tilespmem:s5], [sflag:$0x2] =	stream.indirect.gather @!p1 [hbm4b:s4+s20], $0x80, s31, s20, $0xb8;
	[tilespmem:$0x1FE80] =	vst v63  }
0x70: {  	s5 =	simm.s32 @!p1 $0x6  }
0x71: {  	_ =	swait.ge @!p1 [sflag:s5], $0x4000  }
0x72: {  	p2 =	sgt.u32 @!p1 s12, $0x18;
	[sflag:s5] =	ssyncset.done @!p1 $0x0  }
0x73: {  	[sflag:s5] =	ssyncadd.s32 @!p1 $0xFFFFC000;
	s5 =	sor.u32 @!p1 $0x100, s13;
	s13 =	simm.s32 @!p1 $0x8600  }
0x74: {  	[tilespmem:s13], [sflag:$0x3] =	stream.indirect.gather @!p1 [hbm4b:s4+s20], $0x80, s5, s20, $0xb8;
	[tilespmem:$0x1FE80] =	vst v63  }
0x75: {  	p2 =	por p2, p1;
	s5 =	sadd.s32 @!p1 s10, s15  }
0x76: {  	s13 =	simm.s32 @!p1 $0x0;
	s20 =	simm.s32 @!p1 $0x400;
	s5 =	sadd.s32 @!p1 $0xFFFFF800, s5  }
0x77: {  	[tilespmem:s20], [sflag:$0x8] =	stream.linear.gather @!p1 [hbm4b:s5+s13], $0x180, $0x38;
	[tilespmem:$0x1FE80] =	vst v63  }
0x78: {  	s5 =	sand.u32 @!p2 $0x800, s10;
	s13 =	sadd.s32 @!p2 s10, s14;
	s20 =	simm.s32 @!p2 $0x0  }
0x79: {  	s10 =	sadd.s32 @!p1 $0x800, s10;
	s5 =	sshrl.u32 @!p2 s5, $0x2;
	s13 =	sadd.s32 @!p2 $0xFFFFF800, s13  }
0x7a: {  	[tilespmem:s5], [sflag:$0x7] =	stream.linear.gather @!p2 [hbm4b:s13+s20], $0x180, $0x38;
	[tilespmem:$0x1FE80] =	vst v63  }
0x7b: {  	p2 =	sne.s32 @!p1 s10, $0xD800  }
0x7c: {  	p2 =	por p1, !p2  }
.Ltmp0:
0x7d: {  	_ = 	snop;
	(pc) =	sbr.rel @!p2 .LBB2_2-.Ltmp0, $2  }
0x7e: {  	_ =	sdelay $0x2  }
0x7f: {  	s12 =	sadd.s32 @!p1 $0x1, s12;
	s11 =	sadd.s32 @!p1 $0x200, s11  }
0x80: {  	_ =	swait.ge [sflag:s0], $0x4000  }
0x81: {  	[sflag:s0] =	ssyncset.done $0x0  }
0x82: {  	[sflag:s0] =	ssyncadd.s32 $0xFFFFC000  }
0x83: {  	_ =	swait.ge [sflag:s3], $0x4000  }
0x84: {  	[sflag:s3] =	ssyncset.done $0x0  }
0x85: {  	[sflag:s3] =	ssyncadd.s32 $0xFFFFC000  }
0x86: {  	_ =	swait.ge [sflag:s24], $0x4000  }
0x87: {  	[sflag:s24] =	ssyncset.done $0x0  }
0x88: {  	[sflag:s24] =	ssyncadd.s32 $0xFFFFC000  }
0x89: {  	[bflag:$0x0] =	sbarrier.arrive $0xFFFF  }
0x8a: {  	s5 =	simm.s32 @p0 $0x1FC9;
	s10 =	rddreg [dreg:$0x9]  }
0x8b: {  	[hbm:s10], [sflag:s5] =	dma.local @p0 [spmem:s16], $0x2080  }
0x8c: {  	s5 =	simm.s32 @p0 $0x9  }
0x8d: {  	_ =	swait.ge @p0 [sflag:s5], $0x2080  }
0x8e: {  	[sflag:s5] =	ssyncset.done @p0 $0x0  }
0x8f: {  	[sflag:s5] =	ssyncadd.s32 @p0 $0xFFFFDF80;
	s5 =	rddreg [dreg:$0x8]  }
0x90: {  	[hbm:s5], [sflag:s17] =	dma.local @!p0 [spmem:s18], $0x2780  }
0x91: {  	s5 =	simm.s32 @!p0 $0x9  }
0x92: {  	_ =	swait.ge @!p0 [sflag:s5], $0x2780  }
0x93: {  	s9 =	sadd.s32 $0x1, s9;
	s31 =	rddreg [dreg:$0xa]  }
0x94: {  	p1 =	sne.s32 s9, s31  }
.Ltmp1:
0x95: {  	_ = 	snop;
	(pc) =	sbr.rel @p1 .LBB2_1-.Ltmp1, $3  }
0x96: {  	_ =	sdelay $0x1  }
0x97: {  	[sflag:s5] =	ssyncset.done @!p0 $0x0  }
0x98: {  	[sflag:s5] =	ssyncadd.s32 @!p0 $0xFFFFD880  }
0x99: {  	_ =	sfence.sel $0x180000  }
0x9a: {  	[bflag:$0x0] =	sbarrier.arrive $0xFFFF  }
0x9b: {  	_ =	strace $0x9000004A  }
0x9c: {  	s0 =	stileid.u32;
	[bflag:$0x2] =	sbarrier.arrive $0xFFFF  }
0x9d: {  	p0 =	sne.s32 s0, $0x0;
	s0 =	rddreg [dreg:$0x3]  }
0x9e: {  	s0 =	sadd.s32 @!p0 $0x100000, s0  }
0x9f: {  	[sflag:s0] =	ssyncadd.tile.s32 @!p0 $0x1;
	_ =	shalt  }
.Lfunc_end2:
_tile_overlayer_lowered:
.L_overlay_start_2:
0xa0: {  	(tag) =	ssettag $0x2  }
0xa1: {  	s0 =	rddreg [dreg:$0x0];
	s2 =	stileid.u32  }
0xa2: {  	s1 =	rddreg [dreg:$0x1];
	p0 =	sne.s32 s2, $0x0  }
0xa3: {  	s3 =	rddreg [dreg:$0x2];
	[bflag:$0x3] =	sbarrier.arrive $0xFFFF;
	s2 =	simm.s32 @!p0 $0x1C09  }
0xa4: {  	[timem:s3], [sflag:s2] =	dma.local @!p0 [hbm:s0], s1  }
0xa5: {  	s0 =	simm.s32 @!p0 $0x9  }
0xa6: {  	_ =	swait.ge @!p0 [sflag:s0], s1  }
0xa7: {  	s1 =	ssub.s32 @!p0 $0x0, s1;
	[sflag:s0] =	ssyncset.done @!p0 $0x0  }
0xa8: {  	[sflag:s0] =	ssyncadd.s32 @!p0 s1  }
0xa9: {  	[bflag:$0x3] =	sbarrier.arrive $0xFFFF  }
0xaa: {  	_ =	shalt  }

// kernel: kernel.14.cloned.1.call-start
scs
__scs_entry_jumppad:
0x0: {  	(pc) =	sbr.rel $0x88, $3  }
0x1: {  	(tag) =	ssettag $0x0;
	lr =	simm.s32 $0x1  }
0x2: {  	[smem:$0x3F95] =	sst lr;
	_ =	strace $0xD0000000  }
0x3: {  	_ = 	snop  }
0x4: {  	_ = 	snop  }
0x5: {  	_ = 	snop  }
0x6: {  	_ = 	snop  }
0x7: {  	_ = 	snop  }
__scs_overlays_trampoline_lowered:
0x8: {  	[smem:$0x3FA4] =	sst s0  }
0x9: {  	[smem:$0x3FA5] =	sst s1  }
0xa: {  	[smem:$0x3FA6] =	sst s2  }
0xb: {  	[smem:$0x3FA7] =	sst s3  }
0xc: {  	[smem:$0x3FA8] =	sst s4  }
0xd: {  	[smem:$0x3FA9] =	sst s5  }
0xe: {  	[smem:$0x3FAA] =	sst s6  }
0xf: {  	[smem:$0x3FAB] =	sst s7  }
0x10: {  	[smem:$0x3FAC] =	sst s8  }
0x11: {  	[smem:$0x3FAD] =	sst s9;
	s0 =	simm.s32 @!p0 $0x0  }
0x12: {  	s1 =	sld [smem:$0x3F93];
	s0 =	simm.s32 @p0 $0x1  }
0x13: {  	[smem:$0x3FAE] =	sst s0;
	s0 =	simm.s32 @!p1 $0x0  }
0x14: {  	s2 =	sld [smem:$0x3F92];
	s0 =	simm.s32 @p1 $0x1  }
0x15: {  	[smem:$0x3FAF] =	sst s0;
	s0 =	simm.s32 @!p2 $0x0  }
0x16: {  	s3 =	sld [smem:$0x3FDB];
	s0 =	simm.s32 @p2 $0x1  }
0x17: {  	s4 =	simm.s32 $0x1BF5;
	[smem:$0x3FB1] =	sst s0  }
0x18: {  	s0 =	sld [smem:$0x3F94];
	_ =	swait.ge [sflag:s4], $0x0  }
0x19: {  	s7 =	sld [smem:$0x3F95]  }
0x1a: {  	s8 =	sadd.s32 $0xFFFFE003, lr  }
0x1b: {  	s9 =	sadd.s32 $0xFFFFFEF7, lr;
	s5 =	simm.s32 $0xFFFFFFFF;
	p2 =	slt.u32 s8, $0xFFFFF086  }
0x1c: {  	p1 =	slt.u32 s9, $0xF7A;
	s5 =	simm.s32 @!p2 $0x0  }
0x1d: {  	s5 =	simm.s32 @p1 $0x1;
	p0 =	seq.s32 s7, s2  }
0x1e: {  	s7 =	smul.u32 @!p0 $0xF7A, s2;
	p2 =	seq.s32 @!p0 s5, $0x0  }
0x1f: {  	s9 =	smul.u32 $0xF7A, s1;
	s8 =	simm.s32 @!p0 $0x1BF5;
	p2 =	por !p2, p0  }
0x20: {  	[sflag:s8] =	ssyncset.s32 @!p0 $0xFFFFF086;
	s6 =	sadd.s32 @!p0 s3, s7;
	s7 =	simm.s32 @!p0 $0x108  }
0x21: {  	s3 =	sadd.s32 s3, s9;
	s6 =	sadd.s32 @!p0 $0x88, s6;
	s7 =	simm.s32 @p2 $0x1082  }
0x22: {  	[simem:s7], [sflag:s8] =	dma.local @!p0 [hbm:s6], $0xF7A  }
0x23: {  	s9 =	sor.u32 $0xD0000000, s2;
	s6 =	simm.s32 $0x108;
	_ =	swait.ge @!p0 [sflag:s8], $0x0  }
0x24: {  	s3 =	sadd.s32 $0x88, s3;
	s6 =	simm.s32 @!p1 $0x1082;
	[sflag:s4] =	ssyncset.s32 $0xFFFFF086  }
0x25: {  	[simem:s6], [sflag:s4] =	dma.local [hbm:s3], $0xF7A  }
0x26: {  	[smem:$0x3F95] =	sst s1;
	(tag) =	ssettag s2;
	_ =	strace s9  }
0x27: {  	s1 =	sld [smem:$0x3FA5]  }
0x28: {  	s2 =	sld [smem:$0x3FA6]  }
0x29: {  	s4 =	sld [smem:$0x3FA8]  }
0x2a: {  	p0 =	seq.s32 s5, $0x0;
	s5 =	sld [smem:$0x3FA9]  }
0x2b: {  	s6 =	sld [smem:$0x3FAA]  }
0x2c: {  	s7 =	sld [smem:$0x3FAB]  }
0x2d: {  	s3 =	simm.s32 $0x108;
	s8 =	sld [smem:$0x3FAC]  }
0x2e: {  	s3 =	simm.s32 @!p0 $0x1082;
	s9 =	sld [smem:$0x3FAD]  }
0x2f: {  	lr =	sadd.s32 s0, s3;
	s0 =	sld [smem:$0x3FA4]  }
0x30: {  	s3 =	sld [smem:$0x3FA7]  }
0x31: {  	[smem:$0x3FB0] =	sst s10  }
0x32: {  	s10 =	sld [smem:$0x3FAE];
	_ =	sdelay $0x3  }
0x33: {  	p0 =	seq.s32 s10, $0x1;
	s10 =	sld [smem:$0x3FB0];
	_ =	sdelay $0x3  }
0x34: {  	[smem:$0x3FB0] =	sst s10  }
0x35: {  	s10 =	sld [smem:$0x3FAF];
	_ =	sdelay $0x3  }
0x36: {  	p1 =	seq.s32 s10, $0x1;
	s10 =	sld [smem:$0x3FB0];
	_ =	sdelay $0x3  }
0x37: {  	[smem:$0x3FB0] =	sst s10  }
0x38: {  	s10 =	sld [smem:$0x3FB1]  }
0x39: {  	_ = 	snop;
	(pc) =	sbr.ind lr, $3  }
0x3a: {  	_ = 	snop  }
0x3b: {  	_ = 	snop  }
0x3c: {  	p2 =	seq.s32 s10, $0x1;
	s10 =	sld [smem:$0x3FB0]  }
0x3d: {  	_ =	shalt  }
0x3e: {  	_ =	shalt  }
0x3f: {  	_ =	shalt  }
0x40: {  	_ =	shalt  }
0x41: {  	_ =	shalt  }
0x42: {  	_ =	shalt  }
0x43: {  	_ =	shalt  }
0x44: {  	_ =	shalt  }
0x45: {  	_ =	shalt  }
0x46: {  	_ =	shalt  }
0x47: {  	_ =	shalt  }
0x48: {  	_ =	shalt  }
0x49: {  	_ =	shalt  }
0x4a: {  	_ =	shalt  }
0x4b: {  	_ =	shalt  }
0x4c: {  	_ =	shalt  }
0x4d: {  	_ =	shalt  }
0x4e: {  	_ =	shalt  }
0x4f: {  	_ =	shalt  }
0x50: {  	_ =	shalt  }
0x51: {  	_ =	shalt  }
0x52: {  	_ =	shalt  }
0x53: {  	_ =	shalt  }
0x54: {  	_ =	shalt  }
0x55: {  	_ =	shalt  }
0x56: {  	_ =	shalt  }
0x57: {  	_ =	shalt  }
0x58: {  	_ =	shalt  }
0x59: {  	_ =	shalt  }
0x5a: {  	_ =	shalt  }
0x5b: {  	_ =	shalt  }
0x5c: {  	_ =	shalt  }
0x5d: {  	_ =	shalt  }
0x5e: {  	_ =	shalt  }
0x5f: {  	_ =	shalt  }
0x60: {  	_ =	shalt  }
0x61: {  	_ =	shalt  }
0x62: {  	_ =	shalt  }
0x63: {  	_ =	shalt  }
0x64: {  	_ =	shalt  }
0x65: {  	_ =	shalt  }
0x66: {  	_ =	shalt  }
0x67: {  	_ =	shalt  }
0x68: {  	_ =	shalt  }
0x69: {  	_ =	shalt  }
0x6a: {  	_ =	shalt  }
0x6b: {  	_ =	shalt  }
0x6c: {  	_ =	shalt  }
0x6d: {  	_ =	shalt  }
0x6e: {  	_ =	shalt  }
0x6f: {  	_ =	shalt  }
0x70: {  	_ =	shalt  }
0x71: {  	_ =	shalt  }
0x72: {  	_ =	shalt  }
0x73: {  	_ =	shalt  }
0x74: {  	_ =	shalt  }
0x75: {  	_ =	shalt  }
0x76: {  	_ =	shalt  }
0x77: {  	_ =	shalt  }
0x78: {  	_ =	shalt  }
0x79: {  	_ =	shalt  }
0x7a: {  	_ =	shalt  }
0x7b: {  	_ =	shalt  }
0x7c: {  	_ =	shalt  }
0x7d: {  	_ =	shalt  }
0x7e: {  	_ =	shalt  }
0x7f: {  	_ =	shalt  }
0x80: {  	_ =	shalt  }
0x81: {  	_ =	shalt  }
0x82: {  	_ =	shalt  }
0x83: {  	_ =	shalt  }
0x84: {  	_ =	shalt  }
0x85: {  	_ =	shalt  }
0x86: {  	_ =	shalt  }
0x87: {  	_ =	shalt  }
.Lfunc_end0:
.L_simem_size_0:
called_computation.2_lowered:
.L_overlay_start_0:
0x88: {  	s2 =	sld [smem:$0x3FD9]  }
0x89: {  	s3 =	sld [smem:$0x3FFE];
	_ =	sdelay $0x1  }
0x8a: {  	s1 =	srdreg.scid  }
0x8b: {  	s0 =	sand.u32 $0x1, s1  }
0x8c: {  	s14 =	sshll.u32 s0, $0xA;
	s2 =	sadd.s32 s3, s2  }
0x8d: {  	s2 =	sadd.s32 s2, s14  }
0x8e: {  	[smem:$0x3FBC] =	sst s2  }
0x8f: {  	_ = 	snop  }
0x90: {  	s2 =	sld [smem:$0x3FD0];
	_ =	sdelay $0x2  }
0x91: {  	s15 =	simm.s32 $0xA;
	s4 =	simm.s32 $0x10  }
0x92: {  	[smem:s4], [sflag:s15] =	dma.local [hbm:s2], $0x1  }
0x93: {  	_ =	swait.eq [sflag:s15], $0x1  }
0x94: {  	[sflag:s15] =	ssyncset.done $0x0  }
0x95: {  	[sflag:s15] =	ssyncadd.s32 $0xFFFFFFFF  }
0x96: {  	s16 =	sld [smem:$0x12];
	(tm) =	ssettm $0x1  }
0x97: {  	s17 =	sld [smem:$0x3FFB];
	_ =	sdelay $0x3  }
0x98: {  	_ =	strace s17  }
0x99: {  	s3 =	sld [smem:$0x3FFC];
	_ =	sdelay $0x3  }
0x9a: {  	_ =	strace s3  }
0x9b: {  	s3 =	sld [smem:$0x3FFD];
	_ =	sdelay $0x3  }
0x9c: {  	_ =	strace s3  }
0x9d: {  	_ =	strace $0x8FFFFFFF  }
0x9e: {  	s18 =	sld [smem:$0x3FDB];
	_ =	sdelay $0x1  }
0x9f: {  	s19 =	simm.s32 $_scs_section_size  }
0xa0: {  	s5 =	simm.s32 $_size__tile_overlayer_lowered;
	s6 =	simm.s32 $_tile_overlayer_lowered  }
0xa1: {  	s22 =	simm.s32 $0x1BFF;
	s21 =	sshll.u32 s6, $0x1;
	s3 =	sadd.s32 s19, s18  }
0xa2: {  	s7 =	simm.s32 $0x0;
	s20 =	sshll.u32 s5, $0x1;
	s5 =	sadd.s32 s21, s3  }
0xa3: {  	[timem:s7], [sflag:s22] =	dma.local [hbm:s5], s20  }
0xa4: {  	_ =	swait.ge [sflag:s22], s20  }
0xa5: {  	s4 =	ssub.s32 $0x0, s20;
	[sflag:s22] =	ssyncset.done $0x0  }
0xa6: {  	[sflag:s22] =	ssyncadd.s32 s4;
	_ =	sdelay $0x1  }
0xa7: {  	s23 =	simm.s32 $0x1B8B  }
0xa8: {  	_ =	swait.ge [sflag:s23], $0x1  }
0xa9: {  	[sflag:s23] =	ssyncset.done $0x0  }
0xaa: {  	s25 =	simm.s32 $0x1B8E;
	s24 =	sld [smem:$0x3FFE];
	[sflag:s23] =	ssyncadd.s32 $0xFFFFFFFF  }
0xab: {  	s26 =	simm.s32 $execute0_lowered;
	[smem:$0x3FD2] =	sst s25  }
0xac: {  	s5 =	sshll.u32 s26, $0x1;
	_ =	strace $0x8000004C;
	[dreg:$0x1] =	wrdreg $0xFFFFFFFF  }
0xad: {  	s28 =	simm.s32 $_size_execute0_lowered;
	s3 =	sadd.s32 s3, s5;
	[dreg:$0x0] =	wrdreg $0x0  }
0xae: {  	s5 =	sshll.u32 s28, $0x1;
	[dreg:$0x2] =	wrdreg s3  }
0xaf: {  	[dreg:$0x3] =	wrdreg s5  }
0xb0: {  	[dreg:$0x4] =	wrdreg $0xC0  }
0xb1: {  	_ =	task [dreg:s7], $0x5FFFF  }
0xb2: {  	[dreg:$0x1] =	wrdreg $0xFFFFFFFF  }
0xb3: {  	[dreg:$0x0] =	wrdreg $0x60  }
0xb4: {  	[dreg:$0x2] =	wrdreg s24  }
0xb5: {  	[dreg:$0x3] =	wrdreg s16  }
0xb6: {  	[dreg:$0x4] =	wrdreg $0xC6000  }
0xb7: {  	[dreg:$0x5] =	wrdreg $0x9  }
0xb8: {  	_ =	task.clear_ibuf [dreg:s7], $0x6FFFF;
	_ =	strace $0x9000004C  }
0xb9: {  	s29 =	simm.s32 $0x9;
	_ =	strace $0x8000004E  }
0xba: {  	_ =	swait.ge [sflag:s29], $0x1  }
0xbb: {  	[sflag:s29] =	ssyncadd.s32 $0xFFFFFFFF  }
0xbc: {  	_ =	strace $0x9000004E  }
0xbd: {  	_ =	sfence  }
0xbe: {  	s30 =	sld [smem:$0x0];
	_ =	sdelay $0x2  }
0xbf: {  	s31 =	sshll.u32 s1, $0xD;
	s1 =	sshrl.u32 s1, $0x2  }
0xc0: {  	s3 =	sand.u32 $0x4000, s31;
	s1 =	sadd.s32 s1, s30  }
0xc1: {  	s0 =	sor.u32 s3, s0;
	s1 =	sshll.u32 s1, $0x11  }
0xc2: {  	s0 =	sor.u32 s1, s0  }
0xc3: {  	s0 =	sadd.s32 $0x8F2B, s0  }
0xc4: {  	[sflag:s0] =	ssyncadd.remote.s32 $0x1  }
0xc5: {  	_ =	sfence.sel $0xFFFF  }
0xc6: {  	[dreg:$0x0] =	wrdreg $0xFFFFFFFF;
	(pc) =	sbr.abs _section_cstart, $3  }
0xc7: {  	[dreg:$0x1] =	wrdreg $0xFFFFFFFF  }
0xc8: {  	_ =	task.clear_ibuf [dreg:s7], $0x2FFFF;
	_ =	strace $0x9FFFFFFF  }
0xc9: {  	(tm) =	ssettm $0x7FFFFFFF  }
tec
execute0_lowered:
.L_overlay_start_1:
0x0: {  	(tag) =	ssettag $0x1  }
0x1: {  	s0 =	rddreg [dreg:$0x0]  }
0x2: {  	s3 =	rddreg [dreg:$0x1]  }
0x3: {  	s1 =	rddreg [dreg:$0x2];
	s2 =	simm.s32 $0x0;
	s5 =	srdreg.scid  }
0x4: {  	s28 =	simm.s32 $0x480;
	s29 =	simm.s32 $0x3;
	s30 =	simm.s32 $0x500  }
0x5: {  	[smem:$0x7FF] =	sst s2;
	s4 =	sadd.s32 $0x3400, s0;
	s6 =	sadd.s32 $0x56400, s0  }
0x6: {  	s7 =	sand.u32 $0x1, s5;
	s17 =	sadd.s32 $0x2AE00, s0;
	s0 =	sadd.s32 $0x63C00, s0  }
0x7: {  	s5 =	stileid.u32;
	s16 =	sadd.s32 $0x128400, s1;
	_ =	strace $0x8000004D  }
0x8: {  	[dreg:$0x4] =	wrdreg s17;
	s8 =	ssub.s32 $0x2, s7;
	s10 =	smul.u32 $0x4F000, s5  }
0x9: {  	s18 =	sshll.u32 s7, $0xD;
	s11 =	sshll.u32 s5, $0x9;
	s7 =	smul.u32 $0x138800, s7  }
0xa: {  	s12 =	smul.u32 $0x13C00, s5;
	p0 =	seq.s32 s5, $0xF;
	s9 =	sshrl.u32 s8, $0x1  }
0xb: {  	s16 =	sshrl.u32 @p0 s16, $0x3;
	s8 =	ssub.s32 s8, s9;
	s10 =	sshrl.u32 s10, $0x2  }
0xc: {  	s9 =	sor.u32 s11, s18;
	s20 =	sadd.s32 s12, s7;
	s7 =	sshrl.u32 s7, $0x3  }
0xd: {  	s10 =	sadd.s32 s10, s1;
	s11 =	sshrl.u32 s9, $0x3;
	s21 =	sor.u32 $0x8000, s9  }
0xe: {  	s7 =	sadd.s32 s0, s7;
	s23 =	smax.u32 s8, $0x1;
	s26 =	sor.u32 $0xC000, s9  }
0xf: {  	s8 =	simm.s32 $0x8;
	s9 =	simm.s32 $0x0;
	s13 =	sadd.s32 s3, s11  }
0x10: {  	s14 =	sadd.s32 s6, s11;
	s11 =	sshrl.u32 s20, $0x3;
	s22 =	sadd.s32 $0x25080, s7  }
0x11: {  	[dreg:$0xa] =	wrdreg s23;
	s25 =	sshrl.u32 s21, $0x3;
	s7 =	sshrl.u32 s26, $0x3  }
0x12: {  	s18 =	sshrl.u32 @!p0 s10, $0x3;
	s21 =	simm.s32 $0x80;
	[dreg:$0x5] =	wrdreg s13  }
0x13: {  	s23 =	simm.s32 $0x4600;
	s26 =	simm.s32 $0x2;
	[dreg:$0x9] =	wrdreg s22  }
0x14: {  	s19 =	sadd.s32 $0x800, s13;
	s0 =	sadd.s32 s0, s11;
	[dreg:$0x6] =	wrdreg s14  }
0x15: {  	s24 =	sadd.s32 $0x800, s14;
	s31 =	sadd.s32 s3, s25;
	s14 =	sadd.s32 s7, s3  }
0x16: {  	s15 =	sadd.s32 s25, s6;
	s22 =	simm.s32 $0x600;
	[dreg:$0x7] =	wrdreg s19  }
0x17: {  	s25 =	simm.s32 $0x8600;
	s3 =	simm.s32 $0x5;
	[dreg:$0x8] =	wrdreg s0  }
0x18: {  	s6 =	simm.s32 $0x1;
	s7 =	simm.s32 $0x400;
	[dreg:$0xb] =	wrdreg s24  }
0x19: {  	[dreg:$0xc] =	wrdreg s31;
	s0 =	sshll.u32 @!p0 s5, $0x6;
	s19 =	simm.s32 $0x9  }
0x1a: {  	s24 =	simm.s32 $0x6;
	s17 =	sor.u32 @!p0 $0x1C09, s0;
	s0 =	simm.s32 $0x4  }
.LBB2_1:
0x1b: {  	s10 =	simm.s32 @p0 $0x1FC9;
	s5 =	rddreg [dreg:$0x4]  }
0x1c: {  	[spmem:s16], [sflag:s10] =	dma.local @p0 [hbm:s5], $0x2080  }
0x1d: {  	s10 =	simm.s32 @p0 $0x9  }
0x1e: {  	_ =	swait.ge @p0 [sflag:s10], $0x2080  }
0x1f: {  	[sflag:s10] =	ssyncset.done @p0 $0x0  }
0x20: {  	[sflag:s10] =	ssyncadd.s32 @p0 $0xFFFFDF80;
	s10 =	simm.s32 @!p0 $0x9  }
0x21: {  	[spmem:s18], [sflag:s17] =	dma.local @!p0 [hbm:s5], $0x2780  }
0x22: {  	_ =	swait.ge @!p0 [sflag:s10], $0x2780  }
0x23: {  	[sflag:s10] =	ssyncset.done @!p0 $0x0  }
0x24: {  	[sflag:s10] =	ssyncadd.s32 @!p0 $0xFFFFD880  }
0x25: {  	[bflag:$0x0] =	sbarrier.arrive $0xFFFF  }
0x26: {  	s11 =	rddreg [dreg:$0x5]  }
0x27: {  	[tilespmem:s2], [sflag:$0x9] =	stream.linear.gather [hbm4b:s11+s2], $0x180, $0x38;
	[tilespmem:$0x1FE80] =	vst v63  }
0x28: {  	_ =	swait.ge [sflag:s19], $0x180  }
0x29: {  	[sflag:s19] =	ssyncset.done $0x0  }
0x2a: {  	s12 =	rddreg [dreg:$0x6];
	[sflag:s19] =	ssyncadd.s32 $0xFFFFFE80  }
0x2b: {  	[tilespmem:s7], [sflag:$0x9] =	stream.linear.gather [hbm4b:s12+s2], $0x180, $0x38;
	[tilespmem:$0x1FE80] =	vst v63  }
0x2c: {  	_ =	swait.ge [sflag:s19], $0x180  }
0x2d: {  	[sflag:s19] =	ssyncset.done $0x0  }
0x2e: {  	s20 =	simm.s32 $0x200;
	s13 =	rddreg [dreg:$0x7];
	[sflag:s19] =	ssyncadd.s32 $0xFFFFFE80  }
0x2f: {  	[tilespmem:s20], [sflag:$0x7] =	stream.linear.gather [hbm4b:s13+s2], $0x180, $0x38;
	[tilespmem:$0x1FE80] =	vst v63  }
0x30: {  	_ = 	snop  }
0x31: {  	[tilespmem:s22], [sflag:$0x1] =	stream.indirect.gather [hbm4b:s4+s21], $0x80, s2, s21, $0xb8;
	[tilespmem:$0x1FE80] =	vst v63  }
0x32: {  	_ = 	snop  }
0x33: {  	[tilespmem:s23], [sflag:$0x2] =	stream.indirect.gather [hbm4b:s4+s21], $0x80, s21, s21, $0xb8;
	[tilespmem:$0x1FE80] =	vst v63  }
0x34: {  	s31 =	simm.s32 $0x100  }
0x35: {  	[tilespmem:s25], [sflag:$0x3] =	stream.indirect.gather [hbm4b:s4+s21], $0x80, s31, s21, $0xb8;
	[tilespmem:$0x1FE80] =	vst v63  }
0x36: {  	_ =	swait.ge [sflag:s6], $0x4000  }
0x37: {  	[sflag:s6] =	ssyncset.done $0x0  }
0x38: {  	[sflag:s6] =	ssyncadd.s32 $0xFFFFC000  }
0x39: {  	[spmem:s1] =	stream.indirect.scatter.add.f32 [tilespmem:s22], [sflag:$0x4], $0x80, s7, s21, $0xb8;
	[tilespmem:$0x1FE80] =	vst v63  }
0x3a: {  	_ =	swait.ge [sflag:s26], $0x4000  }
0x3b: {  	[sflag:s26] =	ssyncset.done $0x0  }
0x3c: {  	[sflag:s26] =	ssyncadd.s32 $0xFFFFC000  }
0x3d: {  	[spmem:s1] =	stream.indirect.scatter.add.f32 [tilespmem:s23], [sflag:$0x5], $0x80, s28, s21, $0xb8;
	[tilespmem:$0x1FE80] =	vst v63  }
0x3e: {  	_ =	swait.ge [sflag:s29], $0x4000  }
0x3f: {  	[sflag:s29] =	ssyncset.done $0x0  }
0x40: {  	s11 =	simm.s32 $0x7;
	[sflag:s29] =	ssyncadd.s32 $0xFFFFC000  }
0x41: {  	[spmem:s1] =	stream.indirect.scatter.add.f32 [tilespmem:s25], [sflag:$0x6], $0x80, s30, s21, $0xb8;
	[tilespmem:$0x1FE80] =	vst v63  }
0x42: {  	_ =	swait.ge [sflag:s11], $0x180  }
0x43: {  	[sflag:s11] =	ssyncset.done $0x0  }
0x44: {  	[sflag:s11] =	ssyncadd.s32 $0xFFFFFE80  }
0x45: {  	_ =	swait.ge [sflag:s0], $0x4000  }
0x46: {  	[sflag:s0] =	ssyncset.done $0x0  }
0x47: {  	[sflag:s0] =	ssyncadd.s32 $0xFFFFC000  }
0x48: {  	[tilespmem:s22], [sflag:$0x1] =	stream.indirect.gather [hbm4b:s4+s21], $0x80, s20, s21, $0xb8;
	[tilespmem:$0x1FE80] =	vst v63  }
0x49: {  	_ =	swait.ge [sflag:s3], $0x4000  }
0x4a: {  	[sflag:s3] =	ssyncset.done $0x0  }
0x4b: {  	s12 =	simm.s32 $0x280;
	[sflag:s3] =	ssyncadd.s32 $0xFFFFC000  }
0x4c: {  	[tilespmem:s23], [sflag:$0x2] =	stream.indirect.gather [hbm4b:s4+s21], $0x80, s12, s21, $0xb8;
	[tilespmem:$0x1FE80] =	vst v63  }
0x4d: {  	_ =	swait.ge [sflag:s24], $0x4000  }
0x4e: {  	[sflag:s24] =	ssyncset.done $0x0  }
0x4f: {  	s13 =	simm.s32 $0x300;
	[sflag:s24] =	ssyncadd.s32 $0xFFFFC000  }
0x50: {  	[tilespmem:s25], [sflag:$0x3] =	stream.indirect.gather [hbm4b:s4+s21], $0x80, s13, s21, $0xb8;
	[tilespmem:$0x1FE80] =	vst v63  }
0x51: {  	s10 =	simm.s32 $0x800;
	s20 =	rddreg [dreg:$0xb]  }
0x52: {  	[tilespmem:s7], [sflag:$0x8] =	stream.linear.gather [hbm4b:s20+s2], $0x180, $0x38;
	[tilespmem:$0x1FE80] =	vst v63  }
0x53: {  	s11 =	simm.s32 $0x400;
	s12 =	simm.s32 $0x1;
	s31 =	rddreg [dreg:$0xc]  }
0x54: {  	[tilespmem:s2], [sflag:$0x7] =	stream.linear.gather [hbm4b:s31+s2], $0x180, $0x38;
	[tilespmem:$0x1FE80] =	vst v63  }
.LBB2_2:
0x55: {  	_ =	swait.ge [sflag:s8], $0x180  }
0x56: {  	[sflag:s8] =	ssyncset.done $0x0  }
0x57: {  	[sflag:s8] =	ssyncadd.s32 $0xFFFFFE80  }
0x58: {  	_ =	swait.ge [sflag:s6], $0x4000  }
0x59: {  	[sflag:s6] =	ssyncset.done $0x0  }
0x5a: {  	[sflag:s6] =	ssyncadd.s32 $0xFFFFC000  }
0x5b: {  	[spmem:s1] =	stream.indirect.scatter.add.f32 [tilespmem:s22], [sflag:$0x4], $0x80, s7, s21, $0xb8;
	[tilespmem:$0x1FE80] =	vst v63  }
0x5c: {  	_ =	swait.ge [sflag:s26], $0x4000  }
0x5d: {  	[sflag:s26] =	ssyncset.done $0x0  }
0x5e: {  	[sflag:s26] =	ssyncadd.s32 $0xFFFFC000  }
0x5f: {  	[spmem:s1] =	stream.indirect.scatter.add.f32 [tilespmem:s23], [sflag:$0x5], $0x80, s28, s21, $0xb8;
	[tilespmem:$0x1FE80] =	vst v63  }
0x60: {  	_ =	swait.ge [sflag:s29], $0x4000  }
0x61: {  	p1 =	seq.s32 s10, $0xD000;
	[sflag:s29] =	ssyncset.done $0x0  }
0x62: {  	s13 =	simm.s32 @!p1 $0x7;
	[sflag:s29] =	ssyncadd.s32 $0xFFFFC000  }
0x63: {  	[spmem:s1] =	stream.indirect.scatter.add.f32 [tilespmem:s25], [sflag:$0x6], $0x80, s30, s21, $0xb8;
	[tilespmem:$0x1FE80] =	vst v63  }
0x64: {  	_ =	swait.ge @!p1 [sflag:s13], $0x180  }
0x65: {  	[sflag:s13] =	ssyncset.done @!p1 $0x0  }
0x66: {  	[sflag:s13] =	ssyncadd.s32 @!p1 $0xFFFFFE80;
	s13 =	simm.s32 @!p1 $0x4  }
0x67: {  	_ =	swait.ge @!p1 [sflag:s13], $0x4000  }
0x68: {  	s20 =	simm.s32 @!p1 $0x80;
	[sflag:s13] =	ssyncset.done @!p1 $0x0  }
0x69: {  	s31 =	simm.s32 @!p1 $0x600;
	[sflag:s13] =	ssyncadd.s32 @!p1 $0xFFFFC000;
	s13 =	sand.u32 @!p1 $0x200, s11  }
0x6a: {  	[tilespmem:s31], [sflag:$0x1] =	stream.indirect.gather @!p1 [hbm4b:s4+s20], $0x80, s13, s20, $0xb8;
	[tilespmem:$0x1FE80] =	vst v63  }
0x6b: {  	s31 =	simm.s32 @!p1 $0x5  }
0x6c: {  	_ =	swait.ge @!p1 [sflag:s31], $0x4000  }
0x6d: {  	[sflag:s31] =	ssyncset.done @!p1 $0x0  }
0x6e: {  	s5 =	simm.s32 @!p1 $0x4600;
	[sflag:s31] =	ssyncadd.s32 @!p1 $0xFFFFC000;
	s31 =	sor.u32 @!p1 $0x80, s13  }
0x6f: {  	[tilespmem:s5], [sflag:$0x2] =	stream.indirect.gather @!p1 [hbm4b:s4+s20], $0x80, s31, s20, $0xb8;
	[tilespmem:$0x1FE80] =	vst v63  }
0x70: {  	s5 =	simm.s32 @!p1 $0x6  }
0x71: {  	_ =	swait.ge @!p1 [sflag:s5], $0x4000  }
0x72: {  	p2 =	sgt.u32 @!p1 s12, $0x18;
	[sflag:s5] =	ssyncset.done @!p1 $0x0  }
0x73: {  	[sflag:s5] =	ssyncadd.s32 @!p1 $0xFFFFC000;
	s5 =	sor.u32 @!p1 $0x100, s13;
	s13 =	simm.s32 @!p1 $0x8600  }
0x74: {  	[tilespmem:s13], [sflag:$0x3] =	stream.indirect.gather @!p1 [hbm4b:s4+s20], $0x80, s5, s20, $0xb8;
	[tilespmem:$0x1FE80] =	vst v63  }
0x75: {  	p2 =	por p2, p1;
	s5 =	sadd.s32 @!p1 s10, s15  }
0x76: {  	s13 =	simm.s32 @!p1 $0x0;
	s20 =	simm.s32 @!p1 $0x400;
	s5 =	sadd.s32 @!p1 $0xFFFFF800, s5  }
0x77: {  	[tilespmem:s20], [sflag:$0x8] =	stream.linear.gather @!p1 [hbm4b:s5+s13], $0x180, $0x38;
	[tilespmem:$0x1FE80] =	vst v63  }
0x78: {  	s5 =	sand.u32 @!p2 $0x800, s10;
	s13 =	sadd.s32 @!p2 s10, s14;
	s20 =	simm.s32 @!p2 $0x0  }
0x79: {  	s10 =	sadd.s32 @!p1 $0x800, s10;
	s5 =	sshrl.u32 @!p2 s5, $0x2;
	s13 =	sadd.s32 @!p2 $0xFFFFF800, s13  }
0x7a: {  	[tilespmem:s5], [sflag:$0x7] =	stream.linear.gather @!p2 [hbm4b:s13+s20], $0x180, $0x38;
	[tilespmem:$0x1FE80] =	vst v63  }
0x7b: {  	p2 =	sne.s32 @!p1 s10, $0xD800  }
0x7c: {  	p2 =	por p1, !p2  }
.Ltmp0:
0x7d: {  	_ = 	snop;
	(pc) =	sbr.rel @!p2 .LBB2_2-.Ltmp0, $2  }
0x7e: {  	_ =	sdelay $0x2  }
0x7f: {  	s12 =	sadd.s32 @!p1 $0x1, s12;
	s11 =	sadd.s32 @!p1 $0x200, s11  }
0x80: {  	_ =	swait.ge [sflag:s0], $0x4000  }
0x81: {  	[sflag:s0] =	ssyncset.done $0x0  }
0x82: {  	[sflag:s0] =	ssyncadd.s32 $0xFFFFC000  }
0x83: {  	_ =	swait.ge [sflag:s3], $0x4000  }
0x84: {  	[sflag:s3] =	ssyncset.done $0x0  }
0x85: {  	[sflag:s3] =	ssyncadd.s32 $0xFFFFC000  }
0x86: {  	_ =	swait.ge [sflag:s24], $0x4000  }
0x87: {  	[sflag:s24] =	ssyncset.done $0x0  }
0x88: {  	[sflag:s24] =	ssyncadd.s32 $0xFFFFC000  }
0x89: {  	[bflag:$0x0] =	sbarrier.arrive $0xFFFF  }
0x8a: {  	s5 =	simm.s32 @p0 $0x1FC9;
	s10 =	rddreg [dreg:$0x9]  }
0x8b: {  	[hbm:s10], [sflag:s5] =	dma.local @p0 [spmem:s16], $0x2080  }
0x8c: {  	s5 =	simm.s32 @p0 $0x9  }
0x8d: {  	_ =	swait.ge @p0 [sflag:s5], $0x2080  }
0x8e: {  	[sflag:s5] =	ssyncset.done @p0 $0x0  }
0x8f: {  	[sflag:s5] =	ssyncadd.s32 @p0 $0xFFFFDF80;
	s5 =	rddreg [dreg:$0x8]  }
0x90: {  	[hbm:s5], [sflag:s17] =	dma.local @!p0 [spmem:s18], $0x2780  }
0x91: {  	s5 =	simm.s32 @!p0 $0x9  }
0x92: {  	_ =	swait.ge @!p0 [sflag:s5], $0x2780  }
0x93: {  	s9 =	sadd.s32 $0x1, s9;
	s31 =	rddreg [dreg:$0xa]  }
0x94: {  	p1 =	sne.s32 s9, s31  }
.Ltmp1:
0x95: {  	_ = 	snop;
	(pc) =	sbr.rel @p1 .LBB2_1-.Ltmp1, $3  }
0x96: {  	_ =	sdelay $0x1  }
0x97: {  	[sflag:s5] =	ssyncset.done @!p0 $0x0  }
0x98: {  	[sflag:s5] =	ssyncadd.s32 @!p0 $0xFFFFD880  }
0x99: {  	_ =	sfence.sel $0x180000  }
0x9a: {  	[bflag:$0x0] =	sbarrier.arrive $0xFFFF  }
0x9b: {  	_ =	strace $0x9000004D  }
0x9c: {  	s0 =	stileid.u32;
	[bflag:$0x2] =	sbarrier.arrive $0xFFFF  }
0x9d: {  	p0 =	sne.s32 s0, $0x0;
	s0 =	rddreg [dreg:$0x3]  }
0x9e: {  	s0 =	sadd.s32 @!p0 $0x100000, s0  }
0x9f: {  	[sflag:s0] =	ssyncadd.tile.s32 @!p0 $0x1;
	_ =	shalt  }
.Lfunc_end2:
_tile_overlayer_lowered:
.L_overlay_start_2:
0xa0: {  	(tag) =	ssettag $0x2  }
0xa1: {  	s0 =	rddreg [dreg:$0x0];
	s2 =	stileid.u32  }
0xa2: {  	s1 =	rddreg [dreg:$0x1];
	p0 =	sne.s32 s2, $0x0  }
0xa3: {  	s3 =	rddreg [dreg:$0x2];
	[bflag:$0x3] =	sbarrier.arrive $0xFFFF;
	s2 =	simm.s32 @!p0 $0x1C09  }
0xa4: {  	[timem:s3], [sflag:s2] =	dma.local @!p0 [hbm:s0], s1  }
0xa5: {  	s0 =	simm.s32 @!p0 $0x9  }
0xa6: {  	_ =	swait.ge @!p0 [sflag:s0], s1  }
0xa7: {  	s1 =	ssub.s32 @!p0 $0x0, s1;
	[sflag:s0] =	ssyncset.done @!p0 $0x0  }
0xa8: {  	[sflag:s0] =	ssyncadd.s32 @!p0 s1  }
0xa9: {  	[bflag:$0x3] =	sbarrier.arrive $0xFFFF  }
0xaa: {  	_ =	shalt  }

// kernel: kernel.8.cloned.1.call-start
scs
__scs_entry_jumppad:
0x0: {  	(pc) =	sbr.rel $0x88, $3  }
0x1: {  	(tag) =	ssettag $0x0;
	lr =	simm.s32 $0x1  }
0x2: {  	[smem:$0x3F95] =	sst lr;
	_ =	strace $0xD0000000  }
0x3: {  	_ = 	snop  }
0x4: {  	_ = 	snop  }
0x5: {  	_ = 	snop  }
0x6: {  	_ = 	snop  }
0x7: {  	_ = 	snop  }
__scs_overlays_trampoline_lowered:
0x8: {  	[smem:$0x3FA4] =	sst s0  }
0x9: {  	[smem:$0x3FA5] =	sst s1  }
0xa: {  	[smem:$0x3FA6] =	sst s2  }
0xb: {  	[smem:$0x3FA7] =	sst s3  }
0xc: {  	[smem:$0x3FA8] =	sst s4  }
0xd: {  	[smem:$0x3FA9] =	sst s5  }
0xe: {  	[smem:$0x3FAA] =	sst s6  }
0xf: {  	[smem:$0x3FAB] =	sst s7  }
0x10: {  	[smem:$0x3FAC] =	sst s8  }
0x11: {  	[smem:$0x3FAD] =	sst s9;
	s0 =	simm.s32 @!p0 $0x0  }
0x12: {  	s1 =	sld [smem:$0x3F93];
	s0 =	simm.s32 @p0 $0x1  }
0x13: {  	[smem:$0x3FAE] =	sst s0;
	s0 =	simm.s32 @!p1 $0x0  }
0x14: {  	s2 =	sld [smem:$0x3F92];
	s0 =	simm.s32 @p1 $0x1  }
0x15: {  	[smem:$0x3FAF] =	sst s0;
	s0 =	simm.s32 @!p2 $0x0  }
0x16: {  	s3 =	sld [smem:$0x3FDB];
	s0 =	simm.s32 @p2 $0x1  }
0x17: {  	s4 =	simm.s32 $0x1BF5;
	[smem:$0x3FB1] =	sst s0  }
0x18: {  	s0 =	sld [smem:$0x3F94];
	_ =	swait.ge [sflag:s4], $0x0  }
0x19: {  	s7 =	sld [smem:$0x3F95]  }
0x1a: {  	s8 =	sadd.s32 $0xFFFFE003, lr  }
0x1b: {  	s9 =	sadd.s32 $0xFFFFFEF7, lr;
	s5 =	simm.s32 $0xFFFFFFFF;
	p2 =	slt.u32 s8, $0xFFFFF086  }
0x1c: {  	p1 =	slt.u32 s9, $0xF7A;
	s5 =	simm.s32 @!p2 $0x0  }
0x1d: {  	s5 =	simm.s32 @p1 $0x1;
	p0 =	seq.s32 s7, s2  }
0x1e: {  	s7 =	smul.u32 @!p0 $0xF7A, s2;
	p2 =	seq.s32 @!p0 s5, $0x0  }
0x1f: {  	s9 =	smul.u32 $0xF7A, s1;
	s8 =	simm.s32 @!p0 $0x1BF5;
	p2 =	por !p2, p0  }
0x20: {  	[sflag:s8] =	ssyncset.s32 @!p0 $0xFFFFF086;
	s6 =	sadd.s32 @!p0 s3, s7;
	s7 =	simm.s32 @!p0 $0x108  }
0x21: {  	s3 =	sadd.s32 s3, s9;
	s6 =	sadd.s32 @!p0 $0x88, s6;
	s7 =	simm.s32 @p2 $0x1082  }
0x22: {  	[simem:s7], [sflag:s8] =	dma.local @!p0 [hbm:s6], $0xF7A  }
0x23: {  	s9 =	sor.u32 $0xD0000000, s2;
	s6 =	simm.s32 $0x108;
	_ =	swait.ge @!p0 [sflag:s8], $0x0  }
0x24: {  	s3 =	sadd.s32 $0x88, s3;
	s6 =	simm.s32 @!p1 $0x1082;
	[sflag:s4] =	ssyncset.s32 $0xFFFFF086  }
0x25: {  	[simem:s6], [sflag:s4] =	dma.local [hbm:s3], $0xF7A  }
0x26: {  	[smem:$0x3F95] =	sst s1;
	(tag) =	ssettag s2;
	_ =	strace s9  }
0x27: {  	s1 =	sld [smem:$0x3FA5]  }
0x28: {  	s2 =	sld [smem:$0x3FA6]  }
0x29: {  	s4 =	sld [smem:$0x3FA8]  }
0x2a: {  	p0 =	seq.s32 s5, $0x0;
	s5 =	sld [smem:$0x3FA9]  }
0x2b: {  	s6 =	sld [smem:$0x3FAA]  }
0x2c: {  	s7 =	sld [smem:$0x3FAB]  }
0x2d: {  	s3 =	simm.s32 $0x108;
	s8 =	sld [smem:$0x3FAC]  }
0x2e: {  	s3 =	simm.s32 @!p0 $0x1082;
	s9 =	sld [smem:$0x3FAD]  }
0x2f: {  	lr =	sadd.s32 s0, s3;
	s0 =	sld [smem:$0x3FA4]  }
0x30: {  	s3 =	sld [smem:$0x3FA7]  }
0x31: {  	[smem:$0x3FB0] =	sst s10  }
0x32: {  	s10 =	sld [smem:$0x3FAE];
	_ =	sdelay $0x3  }
0x33: {  	p0 =	seq.s32 s10, $0x1;
	s10 =	sld [smem:$0x3FB0];
	_ =	sdelay $0x3  }
0x34: {  	[smem:$0x3FB0] =	sst s10  }
0x35: {  	s10 =	sld [smem:$0x3FAF];
	_ =	sdelay $0x3  }
0x36: {  	p1 =	seq.s32 s10, $0x1;
	s10 =	sld [smem:$0x3FB0];
	_ =	sdelay $0x3  }
0x37: {  	[smem:$0x3FB0] =	sst s10  }
0x38: {  	s10 =	sld [smem:$0x3FB1]  }
0x39: {  	_ = 	snop;
	(pc) =	sbr.ind lr, $3  }
0x3a: {  	_ = 	snop  }
0x3b: {  	_ = 	snop  }
0x3c: {  	p2 =	seq.s32 s10, $0x1;
	s10 =	sld [smem:$0x3FB0]  }
0x3d: {  	_ =	shalt  }
0x3e: {  	_ =	shalt  }
0x3f: {  	_ =	shalt  }
0x40: {  	_ =	shalt  }
0x41: {  	_ =	shalt  }
0x42: {  	_ =	shalt  }
0x43: {  	_ =	shalt  }
0x44: {  	_ =	shalt  }
0x45: {  	_ =	shalt  }
0x46: {  	_ =	shalt  }
0x47: {  	_ =	shalt  }
0x48: {  	_ =	shalt  }
0x49: {  	_ =	shalt  }
0x4a: {  	_ =	shalt  }
0x4b: {  	_ =	shalt  }
0x4c: {  	_ =	shalt  }
0x4d: {  	_ =	shalt  }
0x4e: {  	_ =	shalt  }
0x4f: {  	_ =	shalt  }
0x50: {  	_ =	shalt  }
0x51: {  	_ =	shalt  }
0x52: {  	_ =	shalt  }
0x53: {  	_ =	shalt  }
0x54: {  	_ =	shalt  }
0x55: {  	_ =	shalt  }
0x56: {  	_ =	shalt  }
0x57: {  	_ =	shalt  }
0x58: {  	_ =	shalt  }
0x59: {  	_ =	shalt  }
0x5a: {  	_ =	shalt  }
0x5b: {  	_ =	shalt  }
0x5c: {  	_ =	shalt  }
0x5d: {  	_ =	shalt  }
0x5e: {  	_ =	shalt  }
0x5f: {  	_ =	shalt  }
0x60: {  	_ =	shalt  }
0x61: {  	_ =	shalt  }
0x62: {  	_ =	shalt  }
0x63: {  	_ =	shalt  }
0x64: {  	_ =	shalt  }
0x65: {  	_ =	shalt  }
0x66: {  	_ =	shalt  }
0x67: {  	_ =	shalt  }
0x68: {  	_ =	shalt  }
0x69: {  	_ =	shalt  }
0x6a: {  	_ =	shalt  }
0x6b: {  	_ =	shalt  }
0x6c: {  	_ =	shalt  }
0x6d: {  	_ =	shalt  }
0x6e: {  	_ =	shalt  }
0x6f: {  	_ =	shalt  }
0x70: {  	_ =	shalt  }
0x71: {  	_ =	shalt  }
0x72: {  	_ =	shalt  }
0x73: {  	_ =	shalt  }
0x74: {  	_ =	shalt  }
0x75: {  	_ =	shalt  }
0x76: {  	_ =	shalt  }
0x77: {  	_ =	shalt  }
0x78: {  	_ =	shalt  }
0x79: {  	_ =	shalt  }
0x7a: {  	_ =	shalt  }
0x7b: {  	_ =	shalt  }
0x7c: {  	_ =	shalt  }
0x7d: {  	_ =	shalt  }
0x7e: {  	_ =	shalt  }
0x7f: {  	_ =	shalt  }
0x80: {  	_ =	shalt  }
0x81: {  	_ =	shalt  }
0x82: {  	_ =	shalt  }
0x83: {  	_ =	shalt  }
0x84: {  	_ =	shalt  }
0x85: {  	_ =	shalt  }
0x86: {  	_ =	shalt  }
0x87: {  	_ =	shalt  }
.Lfunc_end0:
.L_simem_size_0:
called_computation_lowered:
.L_overlay_start_0:
0x88: {  	s2 =	sld [smem:$0x3FD9]  }
0x89: {  	s3 =	sld [smem:$0x3FFE];
	_ =	sdelay $0x1  }
0x8a: {  	s1 =	srdreg.scid  }
0x8b: {  	s0 =	sand.u32 $0x1, s1  }
0x8c: {  	s14 =	sshll.u32 s0, $0xA;
	s2 =	sadd.s32 s3, s2  }
0x8d: {  	s2 =	sadd.s32 s2, s14  }
0x8e: {  	[smem:$0x3FBC] =	sst s2  }
0x8f: {  	_ = 	snop  }
0x90: {  	s2 =	sld [smem:$0x3FD0];
	_ =	sdelay $0x2  }
0x91: {  	s15 =	simm.s32 $0xA;
	s4 =	simm.s32 $0x10  }
0x92: {  	[smem:s4], [sflag:s15] =	dma.local [hbm:s2], $0x1  }
0x93: {  	_ =	swait.eq [sflag:s15], $0x1  }
0x94: {  	[sflag:s15] =	ssyncset.done $0x0  }
0x95: {  	[sflag:s15] =	ssyncadd.s32 $0xFFFFFFFF  }
0x96: {  	s16 =	sld [smem:$0x11];
	(tm) =	ssettm $0x1  }
0x97: {  	s17 =	sld [smem:$0x3FFB];
	_ =	sdelay $0x3  }
0x98: {  	_ =	strace s17  }
0x99: {  	s3 =	sld [smem:$0x3FFC];
	_ =	sdelay $0x3  }
0x9a: {  	_ =	strace s3  }
0x9b: {  	s3 =	sld [smem:$0x3FFD];
	_ =	sdelay $0x3  }
0x9c: {  	_ =	strace s3  }
0x9d: {  	_ =	strace $0x8FFFFFFF  }
0x9e: {  	s18 =	sld [smem:$0x3FDB];
	_ =	sdelay $0x1  }
0x9f: {  	s19 =	simm.s32 $_scs_section_size  }
0xa0: {  	s5 =	simm.s32 $_size__tile_overlayer_lowered;
	s6 =	simm.s32 $_tile_overlayer_lowered  }
0xa1: {  	s22 =	simm.s32 $0x1BFF;
	s21 =	sshll.u32 s6, $0x1;
	s3 =	sadd.s32 s19, s18  }
0xa2: {  	s7 =	simm.s32 $0x0;
	s20 =	sshll.u32 s5, $0x1;
	s5 =	sadd.s32 s21, s3  }
0xa3: {  	[timem:s7], [sflag:s22] =	dma.local [hbm:s5], s20  }
0xa4: {  	_ =	swait.ge [sflag:s22], s20  }
0xa5: {  	s4 =	ssub.s32 $0x0, s20;
	[sflag:s22] =	ssyncset.done $0x0  }
0xa6: {  	[sflag:s22] =	ssyncadd.s32 s4;
	_ =	sdelay $0x1  }
0xa7: {  	s23 =	simm.s32 $0x1B8B  }
0xa8: {  	_ =	swait.ge [sflag:s23], $0x1  }
0xa9: {  	[sflag:s23] =	ssyncset.done $0x0  }
0xaa: {  	s25 =	simm.s32 $0x1B8E;
	s24 =	sld [smem:$0x3FFE];
	[sflag:s23] =	ssyncadd.s32 $0xFFFFFFFF  }
0xab: {  	s26 =	simm.s32 $execute0_lowered;
	[smem:$0x3FD2] =	sst s25  }
0xac: {  	s5 =	sshll.u32 s26, $0x1;
	_ =	strace $0x80000046;
	[dreg:$0x1] =	wrdreg $0xFFFFFFFF  }
0xad: {  	s28 =	simm.s32 $_size_execute0_lowered;
	s3 =	sadd.s32 s3, s5;
	[dreg:$0x0] =	wrdreg $0x0  }
0xae: {  	s5 =	sshll.u32 s28, $0x1;
	[dreg:$0x2] =	wrdreg s3  }
0xaf: {  	[dreg:$0x3] =	wrdreg s5  }
0xb0: {  	[dreg:$0x4] =	wrdreg $0xC0  }
0xb1: {  	_ =	task [dreg:s7], $0x5FFFF  }
0xb2: {  	[dreg:$0x1] =	wrdreg $0xFFFFFFFF  }
0xb3: {  	[dreg:$0x0] =	wrdreg $0x60  }
0xb4: {  	[dreg:$0x2] =	wrdreg s16  }
0xb5: {  	[dreg:$0x3] =	wrdreg s24  }
0xb6: {  	[dreg:$0x4] =	wrdreg $0x6C000  }
0xb7: {  	[dreg:$0x5] =	wrdreg $0x9  }
0xb8: {  	_ =	task.clear_ibuf [dreg:s7], $0x6FFFF;
	_ =	strace $0x90000046  }
0xb9: {  	s29 =	simm.s32 $0x9;
	_ =	strace $0x80000048  }
0xba: {  	_ =	swait.ge [sflag:s29], $0x1  }
0xbb: {  	[sflag:s29] =	ssyncadd.s32 $0xFFFFFFFF  }
0xbc: {  	_ =	strace $0x90000048  }
0xbd: {  	_ =	sfence  }
0xbe: {  	s30 =	sld [smem:$0x0];
	_ =	sdelay $0x2  }
0xbf: {  	s31 =	sshll.u32 s1, $0xD;
	s1 =	sshrl.u32 s1, $0x2  }
0xc0: {  	s3 =	sand.u32 $0x4000, s31;
	s1 =	sadd.s32 s1, s30  }
0xc1: {  	s0 =	sor.u32 s3, s0;
	s1 =	sshll.u32 s1, $0x11  }
0xc2: {  	s0 =	sor.u32 s1, s0  }
0xc3: {  	s0 =	sadd.s32 $0x8F2B, s0  }
0xc4: {  	[sflag:s0] =	ssyncadd.remote.s32 $0x1  }
0xc5: {  	_ =	sfence.sel $0xFFFF  }
0xc6: {  	[dreg:$0x0] =	wrdreg $0xFFFFFFFF;
	(pc) =	sbr.abs _section_cstart, $3  }
0xc7: {  	[dreg:$0x1] =	wrdreg $0xFFFFFFFF  }
0xc8: {  	_ =	task.clear_ibuf [dreg:s7], $0x2FFFF;
	_ =	strace $0x9FFFFFFF  }
0xc9: {  	(tm) =	ssettm $0x7FFFFFFF  }
tec
execute0_lowered:
.L_overlay_start_1:
0x0: {  	(tag) =	ssettag $0x1  }
0x1: {  	s7 =	rddreg [dreg:$0x0]  }
0x2: {  	s6 =	rddreg [dreg:$0x1]  }
0x3: {  	s0 =	srdreg.scid;
	s2 =	rddreg [dreg:$0x2]  }
0x4: {  	s1 =	stileid.u32;
	s3 =	simm.s32 $0x0;
	s13 =	simm.s32 $0x80  }
0x5: {  	s14 =	simm.s32 $0x1;
	s15 =	simm.s32 $0x0;
	s5 =	smul.u32 $0x14000, s1  }
0x6: {  	s8 =	sand.u32 $0x1, s0;
	s0 =	rddreg [dreg:$0x3];
	s11 =	smul.u32 $0x50000, s1  }
0x7: {  	[smem:$0x7FF] =	sst s3;
	s12 =	sshll.u32 s1, $0x6;
	s4 =	smul.u32 $0x140000, s8  }
0x8: {  	_ =	strace $0x80000047;
	s10 =	ssub.s32 $0x2, s8;
	s8 =	sshll.u32 s8, $0x4  }
0x9: {  	s31 =	sshrl.u32 s10, $0x1;
	s8 =	sor.u32 s1, s8;
	s11 =	sshrl.u32 s11, $0x2  }
0xa: {  	s9 =	sadd.s32 s5, s4;
	s4 =	sadd.s32 $0x3400, s6;
	s5 =	sadd.s32 $0x3C00, s6  }
0xb: {  	s8 =	smul.u32 $0x580, s8;
	s10 =	ssub.s32 s10, s31;
	s9 =	sshrl.u32 s9, $0x3  }
0xc: {  	s11 =	sadd.s32 s11, s2;
	s9 =	sadd.s32 s9, s6;
	s6 =	sor.u32 $0x1C02, s12  }
0xd: {  	s7 =	sadd.s32 s7, s8;
	s12 =	simm.s32 $0x2C00;
	s8 =	sadd.s32 $0x6400, s9  }
0xe: {  	s9 =	smax.u32 s10, $0x1;
	s10 =	sshrl.u32 s11, $0x3;
	s11 =	simm.s32 $0x2  }
.LBB2_1:
0xf: {  	[spmem:s10], [sflag:s6] =	dma.local [hbm:s5], $0x2800  }
0x10: {  	_ =	swait.ge [sflag:s11], $0x2800  }
0x11: {  	[sflag:s11] =	ssyncset.done $0x0  }
0x12: {  	[sflag:s11] =	ssyncadd.s32 $0xFFFFD800  }
0x13: {  	[tilespmem:s12], [sflag:$0x2] =	stream.linear.gather [hbm4b:s4+s3], $0x4000, $0x38;
	[tilespmem:$0x1AC00] =	vst v63  }
0x14: {  	_ =	swait.ge [sflag:s11], $0x4000  }
0x15: {  	[sflag:s11] =	ssyncset.done $0x0  }
0x16: {  	[sflag:s11] =	ssyncadd.s32 $0xFFFFC000  }
0x17: {  	[tilespmem:s3], [sflag:$0x2] =	stream.linear.gather [hbm4b:s7+s3], $0x2880, $0x38;
	[tilespmem:$0x1AC00] =	vst v63  }
0x18: {  	_ =	swait.ge [sflag:s11], $0x2880  }
0x19: {  	[sflag:s11] =	ssyncset.done $0x0  }
0x1a: {  	[sflag:s11] =	ssyncadd.s32 $0xFFFFD780  }
0x1b: {  	s16 =	simm.s32 $0x0;
	[bflag:$0x0] =	sbarrier.arrive $0xFFFF  }
.LBB2_2:
0x1c: {  	p0 =	sne.s32 s16, $0xA000  }
.Ltmp0:
0x1d: {  	_ = 	snop;
	(pc) =	sbr.rel @p0 .LBB2_2-.Ltmp0, $3  }
0x1e: {  	_ =	sdelay $0x1  }
0x1f: {  	s17 =	sshra.s32 s16, $0x2;
	s16 =	sadd.s32 $0x200, s16  }
0x20: {  	[spmem:s2] =	stream.indirect.scatter.add.f32 [tilespmem:s12], [sflag:$0x1], $0x80, s17, s13, $0xb8;
	[tilespmem:$0x1AC00] =	vst v63  }
0x21: {  	_ =	swait.ge [sflag:s14], $0x4000  }
0x22: {  	s16 =	simm.s32 $0x50;
	[sflag:s14] =	ssyncset.done $0x0  }
.LBB2_4:
0x23: {  	p0 =	sne.s32 s16, $0x1;
	s16 =	sadd.s32 $0xFFFFFFFF, s16;
	[sflag:s14] =	ssyncadd.s32 $0xFFFFC000  }
.Ltmp1:
0x24: {  	(pc) =	sbr.rel @p0 .LBB2_4-.Ltmp1, $3  }
0x25: {  	_ =	sdelay $0x1  }
0x26: {  	_ =	swait.ge [sflag:s14], $0x4000  }
0x27: {  	[sflag:s14] =	ssyncset.done $0x0  }
0x28: {  	s15 =	sadd.s32 $0x1, s15  }
0x29: {  	[sflag:s14] =	ssyncadd.s32 $0xFFFFC000;
	p0 =	sne.s32 s15, s9  }
.Ltmp2:
0x2a: {  	[bflag:$0x0] =	sbarrier.arrive $0xFFFF;
	(pc) =	sbr.rel @p0 .LBB2_1-.Ltmp2, $4  }
0x2b: {  	[hbm:s8], [sflag:s6] =	dma.local [spmem:s10], $0x2800  }
0x2c: {  	_ =	swait.ge [sflag:s11], $0x2800  }
0x2d: {  	[sflag:s11] =	ssyncset.done $0x0  }
0x2e: {  	[sflag:s11] =	ssyncadd.s32 $0xFFFFD800  }
0x2f: {  	_ =	sfence.sel $0x180000  }
0x30: {  	[bflag:$0x0] =	sbarrier.arrive $0xFFFF  }
0x31: {  	p0 =	sne.s32 s1, $0x0;
	_ =	strace $0x90000047  }
0x32: {  	s0 =	sadd.s32 @!p0 $0x100000, s0;
	[bflag:$0x2] =	sbarrier.arrive $0xFFFF  }
0x33: {  	[sflag:s0] =	ssyncadd.tile.s32 @!p0 $0x1;
	_ =	shalt  }
.Lfunc_end2:
_tile_overlayer_lowered:
.L_overlay_start_2:
0x34: {  	(tag) =	ssettag $0x2  }
0x35: {  	s0 =	rddreg [dreg:$0x0];
	s2 =	stileid.u32  }
0x36: {  	s1 =	rddreg [dreg:$0x1];
	p0 =	sne.s32 s2, $0x0  }
0x37: {  	s3 =	rddreg [dreg:$0x2];
	[bflag:$0x3] =	sbarrier.arrive $0xFFFF;
	s2 =	simm.s32 @!p0 $0x1C02  }
0x38: {  	[timem:s3], [sflag:s2] =	dma.local @!p0 [hbm:s0], s1  }
0x39: {  	s0 =	simm.s32 @!p0 $0x2  }
0x3a: {  	_ =	swait.ge @!p0 [sflag:s0], s1  }
0x3b: {  	s1 =	ssub.s32 @!p0 $0x0, s1;
	[sflag:s0] =	ssyncset.done @!p0 $0x0  }
0x3c: {  	[sflag:s0] =	ssyncadd.s32 @!p0 s1  }
0x3d: {  	[bflag:$0x3] =	sbarrier.arrive $0xFFFF  }
0x3e: {  	_ =	shalt  }

</sc_bundles>
